<compile_context>
chip_gen: v7x
topology: tpu7x:2x2x1
jax: 0.10.2.dev20260603
libtpu: 0.0.44.dev20260713+nightly
codegen_flags: <defaults>
</compile_context>

<pallas_src>
import functools

import jax
import jax.numpy as jnp
from jax import lax
from jax.experimental import pallas as pl
from jax.experimental.pallas import tpu as pltpu
from jax.experimental.pallas import tpu_sc as plsc

NC = 2
NS = 16
NW = NC * NS
LANES = 16



def _sne_body(x_ref, nt_ref, tab_ref, out_ref):
    nt = nt_ref[0, 0, :]
    nrows = nt.shape[0]
    ntypes = tab_ref.shape[0]
    oh = (nt[:, None] == lax.broadcasted_iota(jnp.int32, (nrows, ntypes), 1))
    emb = jnp.dot(oh.astype(jnp.float32), tab_ref[...],
                  preferred_element_type=jnp.float32)
    out_ref[...] = x_ref[...] + emb


def _compute_sne(x, node_type, table):
    n, c = x.shape
    blk = 1000
    grid = n // blk
    nt3 = node_type.astype(jnp.int32).reshape(grid, 1, blk)
    return pl.pallas_call(
        _sne_body,
        grid=(grid,),
        in_specs=[
            pl.BlockSpec((blk, c), lambda i: (i, 0)),
            pl.BlockSpec((1, 1, blk), lambda i: (i, 0, 0)),
            pl.BlockSpec(table.shape, lambda i: (0, 0)),
        ],
        out_specs=pl.BlockSpec((blk, c), lambda i: (i, 0)),
        out_shape=jax.ShapeDtypeStruct((n, c), jnp.float32),
    )(x, nt3, table)



def _scatter_sc(sne, idx3):
    n, c = sne.shape
    ns, nch, bch3 = idx3.shape
    bch = bch3 // 3
    half = n // NC
    hrows = half + 8
    stripe = half // NS // 8 * 8
    tail = half - NS * stripe
    zstripe = hrows // NS // 8 * 8
    ztail = hrows - NS * zstripe
    hsize = hrows * LANES
    hstripe = stripe * LANES
    htail = tail * LANES
    mesh = plsc.VectorSubcoreMesh(core_axis_name="c", subcore_axis_name="s",
                                  num_cores=NC, num_subcores=NS)

    @functools.partial(
        pl.kernel,
        out_type=[
            jax.ShapeDtypeStruct((n, c), jnp.float32),
            jax.ShapeDtypeStruct((n * LANES,), jnp.float32),
        ],
        mesh=mesh,
        scratch_types=[
            pltpu.VMEM((3 * bch,), jnp.int32),
            pltpu.VMEM((3 * bch,), jnp.int32),
            pltpu.VMEM((bch, c), jnp.float32),
            pltpu.VMEM((bch, c), jnp.float32),
            pltpu.VMEM((bch,), jnp.float32),
            pltpu.VMEM((bch,), jnp.int32),
            pltpu.VMEM((bch,), jnp.int32),
            pltpu.VMEM((bch,), jnp.int32),
            pltpu.VMEM((bch,), jnp.int32),
            pltpu.VMEM((bch * LANES,), jnp.float32),
            pltpu.VMEM_SHARED((hrows, c), jnp.float32),
            pltpu.VMEM_SHARED((hsize,), jnp.float32),
            pltpu.SemaphoreType.DMA,
            pltpu.SemaphoreType.DMA,
            pltpu.SemaphoreType.DMA,
            pltpu.SemaphoreType.DMA,
            pltpu.SemaphoreType.DMA,
            pltpu.SemaphoreType.DMA,
            pltpu.SemaphoreType.DMA,
            pltpu.SemaphoreType.DMA,
        ],
    )
    def k(sne_hbm, idx3_hbm, s_out, h_out,
          idx_v0, idx_v1, rows_v0, rows_v1, ones_v, dmod_v0, dmod_v1,
          hidx_v0, hidx_v1, zflat_v,
          s_sh, h_sh, semi0, semi1, semg0, semg1, sems0, sems1, semh0, semh1):
        idx_v = (idx_v0, idx_v1)
        rows_v = (rows_v0, rows_v1)
        dmod_v = (dmod_v0, dmod_v1)
        hidx_v = (hidx_v0, hidx_v1)
        semi = (semi0, semi1)
        semg = (semg0, semg1)
        sems = (sems0, sems1)
        semh = (semh0, semh1)
        cid = lax.axis_index("c")
        sid = lax.axis_index("s")
        lo = cid * half

        zero16 = jnp.zeros((LANES,), jnp.float32)
        one16 = jnp.ones((LANES,), jnp.float32)

        def zrow(i, carry):
            def zcol(j, carry2):
                rows_v0[i, pl.ds(j * LANES, LANES)] = zero16
                return carry2
            lax.fori_loop(0, c // LANES, zcol, 0)
            return carry
        lax.fori_loop(0, bch, zrow, 0)

        def fill_ones(g, carry):
            ones_v[pl.ds(g * LANES, LANES)] = one16
            return carry
        lax.fori_loop(0, bch // LANES, fill_ones, 0)

        def fill_zeros(g, carry):
            zflat_v[pl.ds(g * LANES, LANES)] = zero16
            return carry
        lax.fori_loop(0, bch, fill_zeros, 0)

        off = 0
        while off < zstripe:
            sz = min(bch, zstripe - off)
            pltpu.sync_copy(rows_v0.at[pl.ds(0, sz)],
                            s_sh.at[pl.ds(sid * zstripe + off, sz)])
            off += sz
        zh = zstripe * LANES
        off = 0
        while off < zh:
            sz = min(bch * LANES, zh - off)
            pltpu.sync_copy(zflat_v.at[pl.ds(0, sz)],
                            h_sh.at[pl.ds(sid * zh + off, sz)])
            off += sz
        if ztail:
            @pl.when(sid == NS - 1)
            def _ztail():
                zoff = NS * zstripe
                pltpu.sync_copy(rows_v0.at[pl.ds(0, ztail)],
                                s_sh.at[pl.ds(zoff, ztail)])
                zt = ztail * LANES
                pltpu.sync_copy(zflat_v.at[pl.ds(0, zt)],
                                h_sh.at[pl.ds(zoff * LANES, zt)])
        plsc.subcore_barrier()

        ngroups = bch // LANES

        pltpu.async_copy(idx3_hbm.at[sid, 0], idx_v[0], semi[0]).wait()
        pltpu.async_copy(sne_hbm.at[idx_v[0].at[pl.ds(0, bch)]],
                         rows_v[0], semg[0])
        pltpu.async_copy(idx3_hbm.at[sid, 1], idx_v[1], semi[1])

        def half_step(kk, b):
            @pl.when(kk >= 1)
            def _wait_prev_scatter():
                pltpu.make_async_copy(rows_v[1 - b], s_sh.at[pl.ds(0, bch)],
                                      sems[1 - b]).wait()
                pltpu.make_async_copy(ones_v, h_sh.at[pl.ds(0, bch)],
                                      semh[1 - b]).wait()

            pltpu.make_async_copy(sne_hbm.at[pl.ds(0, bch)],
                                  rows_v[b], semg[b]).wait()

            def clamp(g, carry2):
                d16 = idx_v[b][pl.ds(bch + g * LANES, LANES)]
                e16 = idx_v[b][pl.ds(2 * bch + g * LANES, LANES)]
                dloc = d16 - lo
                inr = (dloc >= 0) & (dloc < half)
                dmod_v[b][pl.ds(g * LANES, LANES)] = jnp.where(inr, dloc, half)
                hidx_v[b][pl.ds(g * LANES, LANES)] = jnp.where(
                    inr, dloc * LANES + e16, half * LANES)
                return carry2
            lax.fori_loop(0, ngroups, clamp, 0)

            @pl.when(kk + 1 < nch)
            def _next_gather():
                pltpu.make_async_copy(idx3_hbm.at[sid, 0],
                                      idx_v[1 - b], semi[1 - b]).wait()
                pltpu.async_copy(sne_hbm.at[idx_v[1 - b].at[pl.ds(0, bch)]],
                                 rows_v[1 - b], semg[1 - b])

            pltpu.async_copy(rows_v[b], s_sh.at[dmod_v[b]], sems[b], add=True)
            pltpu.async_copy(ones_v, h_sh.at[hidx_v[b]], semh[b], add=True)

            @pl.when(kk + 2 < nch)
            def _prefetch_idx():
                pltpu.async_copy(idx3_hbm.at[sid, kk + 2], idx_v[b], semi[b])

        def chunk_pair(i, carry):
            half_step(2 * i, 0)
            half_step(2 * i + 1, 1)
            return carry
        lax.fori_loop(0, nch // 2, chunk_pair, 0)

        bl = (nch - 1) % 2
        pltpu.make_async_copy(rows_v[bl], s_sh.at[pl.ds(0, bch)],
                              sems[bl]).wait()
        pltpu.make_async_copy(ones_v, h_sh.at[pl.ds(0, bch)],
                              semh[bl]).wait()

        plsc.subcore_barrier()
        pltpu.sync_copy(s_sh.at[pl.ds(sid * stripe, stripe)],
                        s_out.at[pl.ds(lo + sid * stripe, stripe)])
        pltpu.sync_copy(h_sh.at[pl.ds(sid * hstripe, hstripe)],
                        h_out.at[pl.ds(lo * LANES + sid * hstripe, hstripe)])
        if tail:
            @pl.when(sid == NS - 1)
            def _wtail():
                pltpu.sync_copy(s_sh.at[pl.ds(NS * stripe, tail)],
                                s_out.at[pl.ds(lo + NS * stripe, tail)])
                pltpu.sync_copy(h_sh.at[pl.ds(NS * hstripe, htail)],
                                h_out.at[pl.ds(lo * LANES + NS * hstripe, htail)])

    return k(sne, idx3)



def _combine_body(sne_ref, s2_ref, h2_ref, ete_ref, w1_ref, w2_ref, wnb_ref,
                  wrb_ref, a1_ref, a2_ref, ab_ref,
                  s_ref, t_ref, ge_ref, sm_ref, tm_ref, *, nblocks, n):
    i = pl.program_id(0)
    s_acc = s2_ref[...]
    hist = h2_ref[...]
    cnt = jnp.sum(hist, axis=1, keepdims=True)
    tsum = jnp.dot(hist, ete_ref[...], preferred_element_type=jnp.float32)
    denom = jnp.maximum(cnt, 1.0)
    efm = (s_acc - tsum) / denom
    h = (jnp.dot(sne_ref[...], w1_ref[...], preferred_element_type=jnp.float32)
         + jnp.dot(efm, w2_ref[...], preferred_element_type=jnp.float32)
         + wnb_ref[...]
         + jnp.where(cnt > 0.0, 1.0, 0.0) * wrb_ref[...])
    s = jnp.dot(h, a1_ref[...], preferred_element_type=jnp.float32)
    t = jnp.dot(h, a2_ref[...], preferred_element_type=jnp.float32) + ab_ref[0, 0]
    s_ref[...] = s
    t_ref[...] = t

    @pl.when(i == 0)
    def _init():
        ge_ref[...] = jnp.zeros_like(ge_ref)
        sm_ref[...] = jnp.full_like(sm_ref, -jnp.inf)
        tm_ref[...] = jnp.full_like(tm_ref, -jnp.inf)

    ge_ref[...] += jnp.sum(h, axis=0, keepdims=True)
    sm_ref[...] = jnp.maximum(sm_ref[...], jnp.max(s))
    tm_ref[...] = jnp.maximum(tm_ref[...], jnp.max(t))

    @pl.when(i == nblocks - 1)
    def _fin():
        ge_ref[...] = ge_ref[...] * (1.0 / n)


def _combine(sne, s2, h2, ete16, w1, w2, wnb, wrb, a1, a2, ab):
    n, c = sne.shape
    out = w1.shape[1]
    blk = 1000
    grid = n // blk
    return pl.pallas_call(
        functools.partial(_combine_body, nblocks=grid, n=n),
        grid=(grid,),
        in_specs=[
            pl.BlockSpec((blk, c), lambda i: (i, 0)),
            pl.BlockSpec((blk, c), lambda i: (i, 0)),
            pl.BlockSpec((blk, LANES), lambda i: (i, 0)),
            pl.BlockSpec(ete16.shape, lambda i: (0, 0)),
            pl.BlockSpec(w1.shape, lambda i: (0, 0)),
            pl.BlockSpec(w2.shape, lambda i: (0, 0)),
            pl.BlockSpec(wnb.shape, lambda i: (0, 0)),
            pl.BlockSpec(wrb.shape, lambda i: (0, 0)),
            pl.BlockSpec(a1.shape, lambda i: (0, 0)),
            pl.BlockSpec(a2.shape, lambda i: (0, 0)),
            pl.BlockSpec(ab.shape, lambda i: (0, 0)),
        ],
        out_specs=[
            pl.BlockSpec((blk, 1), lambda i: (i, 0)),
            pl.BlockSpec((blk, 1), lambda i: (i, 0)),
            pl.BlockSpec((1, out), lambda i: (0, 0)),
            pl.BlockSpec((1, 1), lambda i: (0, 0)),
            pl.BlockSpec((1, 1), lambda i: (0, 0)),
        ],
        out_shape=[
            jax.ShapeDtypeStruct((n, 1), jnp.float32),
            jax.ShapeDtypeStruct((n, 1), jnp.float32),
            jax.ShapeDtypeStruct((1, out), jnp.float32),
            jax.ShapeDtypeStruct((1, 1), jnp.float32),
            jax.ShapeDtypeStruct((1, 1), jnp.float32),
        ],
    )(sne, s2, h2, ete16, w1, w2, wnb, wrb, a1, a2, ab)



def _attn_sc(s_arr, t_arr, src_a, dst_a, shift):
    n = s_arr.shape[0]
    nw, per_w = src_a.shape
    mesh = plsc.VectorSubcoreMesh(core_axis_name="c", subcore_axis_name="s", num_cores=NC, num_subcores=NS)

    @functools.partial(
        pl.kernel,
        out_type=[
            jax.ShapeDtypeStruct((nw, per_w), jnp.float32),
            jax.ShapeDtypeStruct((nw, LANES), jnp.float32),
        ],
        mesh=mesh,
        scratch_types=[
            pltpu.VMEM((n,), jnp.float32),
            pltpu.VMEM((n,), jnp.float32),
            pltpu.VMEM((per_w,), jnp.int32),
            pltpu.VMEM((per_w,), jnp.int32),
            pltpu.VMEM((per_w,), jnp.float32),
            pltpu.VMEM((LANES,), jnp.float32),
        ],
        compiler_params=pltpu.CompilerParams(needs_layout_passes=False),
    )
    def k(s_hbm, t_hbm, src_hbm, dst_hbm, sh_hbm, w_out, ps_out,
          s_v, t_v, src_v, dst_v, w_v, acc_v):
        cid = lax.axis_index("c")
        sid = lax.axis_index("s")
        wid = sid * NC + cid
        pltpu.sync_copy(s_hbm, s_v)
        pltpu.sync_copy(t_hbm, t_v)
        pltpu.sync_copy(sh_hbm, acc_v)
        pltpu.sync_copy(src_hbm.at[wid], src_v)
        pltpu.sync_copy(dst_hbm.at[wid], dst_v)
        sh = acc_v[...]

        def body(g, acc):
            si = src_v[pl.ds(g * LANES, LANES)]
            di = dst_v[pl.ds(g * LANES, LANES)]
            sv = plsc.load_gather(s_v, [si])
            tv = plsc.load_gather(t_v, [di])
            wv = jnp.exp(sv + tv - sh)
            w_v[pl.ds(g * LANES, LANES)] = wv
            return acc + wv
        acc = lax.fori_loop(0, per_w // LANES, body,
                            jnp.zeros((LANES,), jnp.float32))
        acc_v[...] = acc
        pltpu.sync_copy(w_v, w_out.at[wid])
        pltpu.sync_copy(acc_v, ps_out.at[wid])

    return k(s_arr, t_arr, src_a, dst_a, shift)



def _norm_body(w_ref, ps_ref, out_ref):
    z = jnp.sum(ps_ref[...])
    out_ref[...] = w_ref[...] * (1.0 / z)


def _normalize(w2d, psums):
    return pl.pallas_call(
        _norm_body,
        out_shape=jax.ShapeDtypeStruct(w2d.shape, jnp.float32),
    )(w2d, psums)



def kernel(x, edge_index, node_type, edge_type, node_type_table,
           edge_type_table, WN_w, WN_b, WR_w, WR_b, A_w, A_b):
    n, c = x.shape
    e = edge_index.shape[1]
    out = WN_w.shape[0]

    sne = _compute_sne(x, node_type, node_type_table)

    bch = 80
    src = edge_index[0].astype(jnp.int32)
    dst = edge_index[1].astype(jnp.int32)
    et32 = edge_type.astype(jnp.int32)
    per_t = -(-e // (NS * 2 * bch)) * 2 * bch
    nch = per_t // bch
    pad_e = NS * per_t - e
    if pad_e:
        src = jnp.concatenate([src, jnp.zeros((pad_e,), jnp.int32)])
        dst = jnp.concatenate([dst, jnp.full((pad_e,), n, jnp.int32)])
        et32 = jnp.concatenate([et32, jnp.zeros((pad_e,), jnp.int32)])
    idx3 = jnp.concatenate(
        [src.reshape(NS, nch, bch), dst.reshape(NS, nch, bch),
         et32.reshape(NS, nch, bch)], axis=-1)

    s2, h2f = _scatter_sc(sne, idx3)
    h2 = h2f.reshape(n, LANES)

    net = edge_type_table.shape[0]
    ete16 = jnp.zeros((LANES, c), jnp.float32).at[:net].set(edge_type_table)
    w1 = WN_w[:, :c].T
    w2 = (WN_w[:, c:] + WR_w).T
    a1 = A_w[0, :out].reshape(out, 1)
    a2 = A_w[0, out:].reshape(out, 1)
    ab = A_b.reshape(1, 1)
    wnb = WN_b.reshape(1, out)
    wrb = WR_b.reshape(1, out)

    s_col, t_col, ge, sm, tm = _combine(
        sne, s2, h2, ete16, w1, w2, wnb, wrb, a1, a2, ab)

    shift = jnp.full((LANES,), sm[0, 0] + tm[0, 0], jnp.float32)
    per_w = e // NW
    w_un, psums = _attn_sc(s_col.reshape(n), t_col.reshape(n),
                           src[:e].reshape(NW, per_w), dst[:e].reshape(NW, per_w),
                           shift)

    att = _normalize(w_un.reshape(e // 128, 128), psums).reshape(e)
    return (ge.reshape(out), att)

# --- scband reference (transcript-rebuilt; emitter-appended) ---
"""Pipeline reference for scband-relational-graph-convolution-31782757991165 (READ-ONLY COPY).

The authoritative reference and input builder live on the scoring server;
editing this copy changes nothing except your own understanding.
"""

import jax, jax.numpy as jnp
import numpy as np

N = 10000
E = 320000
C = 128
OUT = 128
NUM_NODE_TYPES = 16
NUM_EDGE_TYPES = 8


def setup_inputs(seed: int = 0) -> dict:
    key = jax.random.key(seed)
    ks = jax.random.split(key, 12)
    x = jax.random.normal(ks[0], (N, C), dtype=jnp.float32)
    edge_index = jax.random.randint(ks[1], (2, E), 0, N)
    node_type = jax.random.randint(ks[2], (N,), 0, NUM_NODE_TYPES)
    edge_type = jax.random.randint(ks[3], (E,), 0, NUM_EDGE_TYPES)
    node_type_table = jax.random.normal(ks[4], (NUM_NODE_TYPES, C), dtype=jnp.float32) * 0.02
    edge_type_table = jax.random.normal(ks[5], (NUM_EDGE_TYPES, C), dtype=jnp.float32) * 0.02
    WN_w = jax.random.normal(ks[6], (OUT, 2 * C), dtype=jnp.float32) * (1.0 / np.sqrt(2 * C))
    WN_b = jnp.zeros((OUT,), dtype=jnp.float32)
    WR_w = jax.random.normal(ks[7], (OUT, C), dtype=jnp.float32) * (1.0 / np.sqrt(C))
    WR_b = jnp.zeros((OUT,), dtype=jnp.float32)
    A_w = jax.random.normal(ks[8], (1, 2 * OUT), dtype=jnp.float32) * (1.0 / np.sqrt(2 * OUT))
    A_b = jnp.zeros((1,), dtype=jnp.float32)
    return {
        "x": x,
        "edge_index": edge_index,
        "node_type": node_type,
        "edge_type": edge_type,
        "node_type_table": node_type_table,
        "edge_type_table": edge_type_table,
        "WN_w": WN_w,
        "WN_b": WN_b,
        "WR_w": WR_w,
        "WR_b": WR_b,
        "A_w": A_w,
        "A_b": A_b,
    }


def reference(x, edge_index, node_type, edge_type, node_type_table, edge_type_table,
              WN_w, WN_b, WR_w, WR_b, A_w, A_b):
    n = x.shape[0]
    src = edge_index[0]
    dst = edge_index[1]
    # embedding lookups (gather)
    node_type_embeddings = node_type_table[node_type]
    edge_type_embeddings = edge_type_table[edge_type]
    # node-level source embedding
    source_node_embedding = x + node_type_embeddings
    # per-edge relational embedding: source node embedding gathered at edge src minus edge-type embedding
    edge_embedding = source_node_embedding[src] - edge_type_embeddings
    # edge transform + scatter-mean aggregation onto dst nodes
    edge_msg = edge_embedding @ WR_w.T + WR_b
    seg_sum = jax.ops.segment_sum(edge_msg, dst, num_segments=n)
    cnt = jax.ops.segment_sum(jnp.ones((edge_msg.shape[0],), dtype=jnp.float32), dst, num_segments=n)
    denom = jnp.maximum(cnt, 1.0)[:, None]
    aggregated_edge_embeddings = seg_sum / denom
    # node-level combined features: source embedding concatenated with mean incoming raw edge embedding
    edge_feat_sum = jax.ops.segment_sum(edge_embedding, dst, num_segments=n)
    edge_feat_mean = edge_feat_sum / denom
    x_combined = jnp.concatenate([source_node_embedding, edge_feat_mean], axis=-1)
    h = x_combined @ WN_w.T + WN_b + aggregated_edge_embeddings
    # dropout is identity in eval mode
    attn_in = jnp.concatenate([h[src], h[dst]], axis=1)
    attention_weights = (attn_in @ A_w.T + A_b)[:, 0]
    attention_weights = jax.nn.softmax(attention_weights, axis=0)
    graph_embedding = jnp.mean(h, axis=0)
    return (graph_embedding, attention_weights)

if __name__ == "__main__":
    import jax
    _d = setup_inputs()
    print(jax.jit(kernel)(*tuple(_d.values())))

</pallas_src>

<mosaic_0001>
#map = affine_map<(d0, d1) -> (0, 0)>
#map1 = affine_map<(d0, d1) -> (0, 0, 0)>
#map2 = affine_map<(d0, d1) -> (0)>
module attributes {stable_mosaic.version = 14 : i64} {
  func.func @k(%arg0: i32, %arg1: i32, %arg2: memref<10000x128xf32, #tpu.memory_space<hbm>>, %arg3: memref<16x250x240xi32, #tpu.memory_space<hbm>>, %arg4: memref<10000x128xf32, #tpu.memory_space<hbm>>, %arg5: memref<160000xf32, #tpu.memory_space<hbm>>, %arg6: memref<240xi32, #tpu.memory_space<vmem>>, %arg7: memref<240xi32, #tpu.memory_space<vmem>>, %arg8: memref<80x128xf32, #tpu.memory_space<vmem>>, %arg9: memref<80x128xf32, #tpu.memory_space<vmem>>, %arg10: memref<80xf32, #tpu.memory_space<vmem>>, %arg11: memref<80xi32, #tpu.memory_space<vmem>>, %arg12: memref<80xi32, #tpu.memory_space<vmem>>, %arg13: memref<80xi32, #tpu.memory_space<vmem>>, %arg14: memref<80xi32, #tpu.memory_space<vmem>>, %arg15: memref<1280xf32, #tpu.memory_space<vmem>>, %arg16: memref<5008x128xf32, #tpu.memory_space<vmem_shared>>, %arg17: memref<80128xf32, #tpu.memory_space<vmem_shared>>, %arg18: memref<!tpu.dma_semaphore, #tpu.memory_space<semaphore_mem>>, %arg19: memref<!tpu.dma_semaphore, #tpu.memory_space<semaphore_mem>>, %arg20: memref<!tpu.dma_semaphore, #tpu.memory_space<semaphore_mem>>, %arg21: memref<!tpu.dma_semaphore, #tpu.memory_space<semaphore_mem>>, %arg22: memref<!tpu.dma_semaphore, #tpu.memory_space<semaphore_mem>>, %arg23: memref<!tpu.dma_semaphore, #tpu.memory_space<semaphore_mem>>, %arg24: memref<!tpu.dma_semaphore, #tpu.memory_space<semaphore_mem>>, %arg25: memref<!tpu.dma_semaphore, #tpu.memory_space<semaphore_mem>>) attributes {dimension_semantics = [#tpu.dimension_semantics<core_parallel>, #tpu.dimension_semantics<subcore_parallel>], iteration_bounds = array<i64: 2, 16>, scalar_prefetch = 0 : i64, scratch_operands = 20 : i64, tpu.core_type = #tpu.core_type<sc_vector_subcore>, window_params = [{transform_indices = #map}, {transform_indices = #map1}, {transform_indices = #map}, {transform_indices = #map2}]} {
    %mul3A = arith.constant 5000 : i32
    %mul3A_0 = arith.muli %arg0, %mul3A : i32
    %broadcast_in_dim3A = arith.constant 0.000000e+00 : f32
    %broadcast_in_dim3A_1 = vector.broadcast %broadcast_in_dim3A : f32 to vector<16xf32>
    %broadcast_in_dim3A_2 = arith.constant 1.000000e+00 : f32
    %broadcast_in_dim3A_3 = vector.broadcast %broadcast_in_dim3A_2 : f32 to vector<16xf32>
    %scan3A = arith.constant 0 : i32
    %scan3A_4 = arith.constant 0 : i32
    %scan3A_5 = arith.constant 80 : i32
    %scan3A_6 = arith.addi %scan3A_4, %scan3A_5 : i32
    %scan3A_7 = arith.constant 1 : i32
    scf.for %scan3A_112 = %scan3A_4 to %scan3A_6 step %scan3A_7  : i32 {
      %scan3A_113 = arith.constant 0 : i32
      %scan3A_114 = arith.constant 0 : i32
      %scan3A_115 = arith.constant 8 : i32
      %scan3A_116 = arith.addi %scan3A_114, %scan3A_115 : i32
      %scan3A_117 = arith.constant 1 : i32
      scf.for %scan3A_119 = %scan3A_114 to %scan3A_116 step %scan3A_117  : i32 {
        %mul3A_120 = arith.constant 16 : i32
        %mul3A_121 = arith.muli %scan3A_119, %mul3A_120 : i32
        %swap3A = arith.index_cast %scan3A_112 : i32 to index
        %swap3A_122 = arith.index_cast %mul3A_121 : i32 to index
        %swap3A_123 = tpu.vector_load %arg8[%swap3A, %swap3A_122] {strides = array<i32>} : memref<80x128xf32, #tpu.memory_space<vmem>>, vector<1x16xf32>,
        %swap3A_124 = vector.shape_cast %swap3A_123 : vector<1x16xf32> to vector<16xf32>
        %swap3A_125 = vector.shape_cast %broadcast_in_dim3A_1 : vector<16xf32> to vector<1x16xf32>
        tpu.vector_store %arg8[%swap3A, %swap3A_122], %swap3A_125 {strides = array<i32>} : memref<80x128xf32, #tpu.memory_space<vmem>>, vector<1x16xf32>,
      }
      %scan3A_118 = arith.constant 8 : i32
    }
    %scan3A_8 = arith.constant 80 : i32
    %scan3A_9 = arith.constant 0 : i32
    %scan3A_10 = arith.constant 0 : i32
    %scan3A_11 = arith.constant 5 : i32
    %scan3A_12 = arith.addi %scan3A_10, %scan3A_11 : i32
    %scan3A_13 = arith.constant 1 : i32
    scf.for %scan3A_112 = %scan3A_10 to %scan3A_12 step %scan3A_13  : i32 {
      %mul3A_113 = arith.constant 16 : i32
      %mul3A_114 = arith.muli %scan3A_112, %mul3A_113 : i32
      %swap3A = arith.index_cast %mul3A_114 : i32 to index
      %swap3A_115 = tpu.vector_load %arg10[%swap3A] {strides = array<i32>} : memref<80xf32, #tpu.memory_space<vmem>>, vector<16xf32>,
      %swap3A_116 = vector.shape_cast %swap3A_115 : vector<16xf32> to vector<16xf32>
      %swap3A_117 = vector.shape_cast %broadcast_in_dim3A_3 : vector<16xf32> to vector<16xf32>
      tpu.vector_store %arg10[%swap3A], %swap3A_117 {strides = array<i32>} : memref<80xf32, #tpu.memory_space<vmem>>, vector<16xf32>,
    }
    %scan3A_14 = arith.constant 5 : i32
    %scan3A_15 = arith.constant 0 : i32
    %scan3A_16 = arith.constant 0 : i32
    %scan3A_17 = arith.constant 80 : i32
    %scan3A_18 = arith.addi %scan3A_16, %scan3A_17 : i32
    %scan3A_19 = arith.constant 1 : i32
    scf.for %scan3A_112 = %scan3A_16 to %scan3A_18 step %scan3A_19  : i32 {
      %mul3A_113 = arith.constant 16 : i32
      %mul3A_114 = arith.muli %scan3A_112, %mul3A_113 : i32
      %swap3A = arith.index_cast %mul3A_114 : i32 to index
      %swap3A_115 = tpu.vector_load %arg15[%swap3A] {strides = array<i32>} : memref<1280xf32, #tpu.memory_space<vmem>>, vector<16xf32>,
      %swap3A_116 = vector.shape_cast %swap3A_115 : vector<16xf32> to vector<16xf32>
      %swap3A_117 = vector.shape_cast %broadcast_in_dim3A_1 : vector<16xf32> to vector<16xf32>
      tpu.vector_store %arg15[%swap3A], %swap3A_117 {strides = array<i32>} : memref<1280xf32, #tpu.memory_space<vmem>>, vector<16xf32>,
    }
    %scan3A_20 = arith.constant 80 : i32
    %mul3A_21 = arith.constant 312 : i32
    %mul3A_22 = arith.muli %arg1, %mul3A_21 : i32
    %add3A = arith.constant 0 : i32
    %add3A_23 = arith.addi %mul3A_22, %add3A : i32
    "tpu.region"() ({
      %run_scoped3A = tpu.sem_alloc : memref<!tpu.dma_semaphore, #tpu.memory_space<semaphore_mem>>
      %dma_start3A_112 = arith.constant 0 : i32
      %dma_start3A_113 = arith.constant 0 : i32
      %dma_start3A_114 = tpu.memref_slice %arg8[%dma_start3A_112, %dma_start3A_113] : memref<80x128xf32, #tpu.memory_space<vmem>> -> memref<80x128xf32, #tpu.memory_space<vmem>>
      %dma_start3A_115 = arith.constant 0 : i32
      %dma_start3A_116 = tpu.memref_slice %arg16[%add3A_23, %dma_start3A_115] : memref<5008x128xf32, #tpu.memory_space<vmem_shared>> -> memref<80x128xf32, #tpu.memory_space<vmem_shared>>
      %dma_start3A_117 = arith.constant 0 : i32
      %dma_start3A_118 = tpu.memref_slice %arg16[%add3A_23, %dma_start3A_117] : memref<5008x128xf32, #tpu.memory_space<vmem_shared>> -> memref<80x128xf32, #tpu.memory_space<vmem_shared>>
      %dma_start3A_119 = arith.constant 0 : i32
      %dma_start3A_120 = arith.constant 0 : i32
      %dma_start3A_121 = tpu.memref_slice %arg8[%dma_start3A_119, %dma_start3A_120] : memref<80x128xf32, #tpu.memory_space<vmem>> -> memref<80x128xf32, #tpu.memory_space<vmem>>
      tpu.enqueue_dma source(%dma_start3A_121 : memref<80x128xf32, #tpu.memory_space<vmem>>) target(%dma_start3A_118 : memref<80x128xf32, #tpu.memory_space<vmem_shared>>) target_semaphore(%run_scoped3A : memref<!tpu.dma_semaphore, #tpu.memory_space<semaphore_mem>>)
      %dma_wait3A_122 = arith.constant 0 : i32
      %dma_wait3A_123 = arith.constant 0 : i32
      %dma_wait3A_124 = tpu.memref_slice %arg8[%dma_wait3A_122, %dma_wait3A_123] : memref<80x128xf32, #tpu.memory_space<vmem>> -> memref<80x128xf32, #tpu.memory_space<vmem>>
      %dma_wait3A_125 = arith.constant 0 : i32
      %dma_wait3A_126 = tpu.memref_slice %arg16[%add3A_23, %dma_wait3A_125] : memref<5008x128xf32, #tpu.memory_space<vmem_shared>> -> memref<80x128xf32, #tpu.memory_space<vmem_shared>>
      %dma_wait3A_127 = arith.constant 0 : i32
      %dma_wait3A_128 = tpu.memref_slice %arg16[%add3A_23, %dma_wait3A_127] : memref<5008x128xf32, #tpu.memory_space<vmem_shared>> -> memref<80x128xf32, #tpu.memory_space<vmem_shared>>
      %dma_wait3A_129 = arith.constant 0 : i32
      %dma_wait3A_130 = arith.constant 0 : i32
      %dma_wait3A_131 = tpu.memref_slice %arg8[%dma_wait3A_129, %dma_wait3A_130] : memref<80x128xf32, #tpu.memory_space<vmem>> -> memref<80x128xf32, #tpu.memory_space<vmem>>
      tpu.wait_dma2 semaphore(%run_scoped3A : memref<!tpu.dma_semaphore, #tpu.memory_space<semaphore_mem>>) src(%dma_wait3A_131 : memref<80x128xf32, #tpu.memory_space<vmem>>) dst(%dma_wait3A_128 : memref<80x128xf32, #tpu.memory_space<vmem_shared>>)
      tpu.yield
    }) : () -> ()
    %mul3A_24 = arith.constant 312 : i32
    %mul3A_25 = arith.muli %arg1, %mul3A_24 : i32
    %add3A_26 = arith.constant 80 : i32
    %add3A_27 = arith.addi %mul3A_25, %add3A_26 : i32
    "tpu.region"() ({
      %run_scoped3A = tpu.sem_alloc : memref<!tpu.dma_semaphore, #tpu.memory_space<semaphore_mem>>
      %dma_start3A_112 = arith.constant 0 : i32
      %dma_start3A_113 = arith.constant 0 : i32
      %dma_start3A_114 = tpu.memref_slice %arg8[%dma_start3A_112, %dma_start3A_113] : memref<80x128xf32, #tpu.memory_space<vmem>> -> memref<80x128xf32, #tpu.memory_space<vmem>>
      %dma_start3A_115 = arith.constant 0 : i32
      %dma_start3A_116 = tpu.memref_slice %arg16[%add3A_27, %dma_start3A_115] : memref<5008x128xf32, #tpu.memory_space<vmem_shared>> -> memref<80x128xf32, #tpu.memory_space<vmem_shared>>
      %dma_start3A_117 = arith.constant 0 : i32
      %dma_start3A_118 = tpu.memref_slice %arg16[%add3A_27, %dma_start3A_117] : memref<5008x128xf32, #tpu.memory_space<vmem_shared>> -> memref<80x128xf32, #tpu.memory_space<vmem_shared>>
      %dma_start3A_119 = arith.constant 0 : i32
      %dma_start3A_120 = arith.constant 0 : i32
      %dma_start3A_121 = tpu.memref_slice %arg8[%dma_start3A_119, %dma_start3A_120] : memref<80x128xf32, #tpu.memory_space<vmem>> -> memref<80x128xf32, #tpu.memory_space<vmem>>
      tpu.enqueue_dma source(%dma_start3A_121 : memref<80x128xf32, #tpu.memory_space<vmem>>) target(%dma_start3A_118 : memref<80x128xf32, #tpu.memory_space<vmem_shared>>) target_semaphore(%run_scoped3A : memref<!tpu.dma_semaphore, #tpu.memory_space<semaphore_mem>>)
      %dma_wait3A_122 = arith.constant 0 : i32
      %dma_wait3A_123 = arith.constant 0 : i32
      %dma_wait3A_124 = tpu.memref_slice %arg8[%dma_wait3A_122, %dma_wait3A_123] : memref<80x128xf32, #tpu.memory_space<vmem>> -> memref<80x128xf32, #tpu.memory_space<vmem>>
      %dma_wait3A_125 = arith.constant 0 : i32
      %dma_wait3A_126 = tpu.memref_slice %arg16[%add3A_27, %dma_wait3A_125] : memref<5008x128xf32, #tpu.memory_space<vmem_shared>> -> memref<80x128xf32, #tpu.memory_space<vmem_shared>>
      %dma_wait3A_127 = arith.constant 0 : i32
      %dma_wait3A_128 = tpu.memref_slice %arg16[%add3A_27, %dma_wait3A_127] : memref<5008x128xf32, #tpu.memory_space<vmem_shared>> -> memref<80x128xf32, #tpu.memory_space<vmem_shared>>
      %dma_wait3A_129 = arith.constant 0 : i32
      %dma_wait3A_130 = arith.constant 0 : i32
      %dma_wait3A_131 = tpu.memref_slice %arg8[%dma_wait3A_129, %dma_wait3A_130] : memref<80x128xf32, #tpu.memory_space<vmem>> -> memref<80x128xf32, #tpu.memory_space<vmem>>
      tpu.wait_dma2 semaphore(%run_scoped3A : memref<!tpu.dma_semaphore, #tpu.memory_space<semaphore_mem>>) src(%dma_wait3A_131 : memref<80x128xf32, #tpu.memory_space<vmem>>) dst(%dma_wait3A_128 : memref<80x128xf32, #tpu.memory_space<vmem_shared>>)
      tpu.yield
    }) : () -> ()
    %mul3A_28 = arith.constant 312 : i32
    %mul3A_29 = arith.muli %arg1, %mul3A_28 : i32
    %add3A_30 = arith.constant 160 : i32
    %add3A_31 = arith.addi %mul3A_29, %add3A_30 : i32
    "tpu.region"() ({
      %run_scoped3A = tpu.sem_alloc : memref<!tpu.dma_semaphore, #tpu.memory_space<semaphore_mem>>
      %dma_start3A_112 = arith.constant 0 : i32
      %dma_start3A_113 = arith.constant 0 : i32
      %dma_start3A_114 = tpu.memref_slice %arg8[%dma_start3A_112, %dma_start3A_113] : memref<80x128xf32, #tpu.memory_space<vmem>> -> memref<80x128xf32, #tpu.memory_space<vmem>>
      %dma_start3A_115 = arith.constant 0 : i32
      %dma_start3A_116 = tpu.memref_slice %arg16[%add3A_31, %dma_start3A_115] : memref<5008x128xf32, #tpu.memory_space<vmem_shared>> -> memref<80x128xf32, #tpu.memory_space<vmem_shared>>
      %dma_start3A_117 = arith.constant 0 : i32
      %dma_start3A_118 = tpu.memref_slice %arg16[%add3A_31, %dma_start3A_117] : memref<5008x128xf32, #tpu.memory_space<vmem_shared>> -> memref<80x128xf32, #tpu.memory_space<vmem_shared>>
      %dma_start3A_119 = arith.constant 0 : i32
      %dma_start3A_120 = arith.constant 0 : i32
      %dma_start3A_121 = tpu.memref_slice %arg8[%dma_start3A_119, %dma_start3A_120] : memref<80x128xf32, #tpu.memory_space<vmem>> -> memref<80x128xf32, #tpu.memory_space<vmem>>
      tpu.enqueue_dma source(%dma_start3A_121 : memref<80x128xf32, #tpu.memory_space<vmem>>) target(%dma_start3A_118 : memref<80x128xf32, #tpu.memory_space<vmem_shared>>) target_semaphore(%run_scoped3A : memref<!tpu.dma_semaphore, #tpu.memory_space<semaphore_mem>>)
      %dma_wait3A_122 = arith.constant 0 : i32
      %dma_wait3A_123 = arith.constant 0 : i32
      %dma_wait3A_124 = tpu.memref_slice %arg8[%dma_wait3A_122, %dma_wait3A_123] : memref<80x128xf32, #tpu.memory_space<vmem>> -> memref<80x128xf32, #tpu.memory_space<vmem>>
      %dma_wait3A_125 = arith.constant 0 : i32
      %dma_wait3A_126 = tpu.memref_slice %arg16[%add3A_31, %dma_wait3A_125] : memref<5008x128xf32, #tpu.memory_space<vmem_shared>> -> memref<80x128xf32, #tpu.memory_space<vmem_shared>>
      %dma_wait3A_127 = arith.constant 0 : i32
      %dma_wait3A_128 = tpu.memref_slice %arg16[%add3A_31, %dma_wait3A_127] : memref<5008x128xf32, #tpu.memory_space<vmem_shared>> -> memref<80x128xf32, #tpu.memory_space<vmem_shared>>
      %dma_wait3A_129 = arith.constant 0 : i32
      %dma_wait3A_130 = arith.constant 0 : i32
      %dma_wait3A_131 = tpu.memref_slice %arg8[%dma_wait3A_129, %dma_wait3A_130] : memref<80x128xf32, #tpu.memory_space<vmem>> -> memref<80x128xf32, #tpu.memory_space<vmem>>
      tpu.wait_dma2 semaphore(%run_scoped3A : memref<!tpu.dma_semaphore, #tpu.memory_space<semaphore_mem>>) src(%dma_wait3A_131 : memref<80x128xf32, #tpu.memory_space<vmem>>) dst(%dma_wait3A_128 : memref<80x128xf32, #tpu.memory_space<vmem_shared>>)
      tpu.yield
    }) : () -> ()
    %mul3A_32 = arith.constant 312 : i32
    %mul3A_33 = arith.muli %arg1, %mul3A_32 : i32
    %add3A_34 = arith.constant 240 : i32
    %add3A_35 = arith.addi %mul3A_33, %add3A_34 : i32
    "tpu.region"() ({
      %run_scoped3A = tpu.sem_alloc : memref<!tpu.dma_semaphore, #tpu.memory_space<semaphore_mem>>
      %dma_start3A_112 = arith.constant 0 : i32
      %dma_start3A_113 = arith.constant 0 : i32
      %dma_start3A_114 = tpu.memref_slice %arg8[%dma_start3A_112, %dma_start3A_113] : memref<80x128xf32, #tpu.memory_space<vmem>> -> memref<72x128xf32, #tpu.memory_space<vmem>>
      %dma_start3A_115 = arith.constant 0 : i32
      %dma_start3A_116 = tpu.memref_slice %arg16[%add3A_35, %dma_start3A_115] : memref<5008x128xf32, #tpu.memory_space<vmem_shared>> -> memref<72x128xf32, #tpu.memory_space<vmem_shared>>
      %dma_start3A_117 = arith.constant 0 : i32
      %dma_start3A_118 = tpu.memref_slice %arg16[%add3A_35, %dma_start3A_117] : memref<5008x128xf32, #tpu.memory_space<vmem_shared>> -> memref<72x128xf32, #tpu.memory_space<vmem_shared>>
      %dma_start3A_119 = arith.constant 0 : i32
      %dma_start3A_120 = arith.constant 0 : i32
      %dma_start3A_121 = tpu.memref_slice %arg8[%dma_start3A_119, %dma_start3A_120] : memref<80x128xf32, #tpu.memory_space<vmem>> -> memref<72x128xf32, #tpu.memory_space<vmem>>
      tpu.enqueue_dma source(%dma_start3A_121 : memref<72x128xf32, #tpu.memory_space<vmem>>) target(%dma_start3A_118 : memref<72x128xf32, #tpu.memory_space<vmem_shared>>) target_semaphore(%run_scoped3A : memref<!tpu.dma_semaphore, #tpu.memory_space<semaphore_mem>>)
      %dma_wait3A_122 = arith.constant 0 : i32
      %dma_wait3A_123 = arith.constant 0 : i32
      %dma_wait3A_124 = tpu.memref_slice %arg8[%dma_wait3A_122, %dma_wait3A_123] : memref<80x128xf32, #tpu.memory_space<vmem>> -> memref<72x128xf32, #tpu.memory_space<vmem>>
      %dma_wait3A_125 = arith.constant 0 : i32
      %dma_wait3A_126 = tpu.memref_slice %arg16[%add3A_35, %dma_wait3A_125] : memref<5008x128xf32, #tpu.memory_space<vmem_shared>> -> memref<72x128xf32, #tpu.memory_space<vmem_shared>>
      %dma_wait3A_127 = arith.constant 0 : i32
      %dma_wait3A_128 = tpu.memref_slice %arg16[%add3A_35, %dma_wait3A_127] : memref<5008x128xf32, #tpu.memory_space<vmem_shared>> -> memref<72x128xf32, #tpu.memory_space<vmem_shared>>
      %dma_wait3A_129 = arith.constant 0 : i32
      %dma_wait3A_130 = arith.constant 0 : i32
      %dma_wait3A_131 = tpu.memref_slice %arg8[%dma_wait3A_129, %dma_wait3A_130] : memref<80x128xf32, #tpu.memory_space<vmem>> -> memref<72x128xf32, #tpu.memory_space<vmem>>
      tpu.wait_dma2 semaphore(%run_scoped3A : memref<!tpu.dma_semaphore, #tpu.memory_space<semaphore_mem>>) src(%dma_wait3A_131 : memref<72x128xf32, #tpu.memory_space<vmem>>) dst(%dma_wait3A_128 : memref<72x128xf32, #tpu.memory_space<vmem_shared>>)
      tpu.yield
    }) : () -> ()
    %mul3A_36 = arith.constant 4992 : i32
    %mul3A_37 = arith.muli %arg1, %mul3A_36 : i32
    %add3A_38 = arith.constant 0 : i32
    %add3A_39 = arith.addi %mul3A_37, %add3A_38 : i32
    "tpu.region"() ({
      %run_scoped3A = tpu.sem_alloc : memref<!tpu.dma_semaphore, #tpu.memory_space<semaphore_mem>>
      %dma_start3A_112 = arith.constant 0 : i32
      %dma_start3A_113 = tpu.memref_slice %arg15[%dma_start3A_112] : memref<1280xf32, #tpu.memory_space<vmem>> -> memref<1280xf32, #tpu.memory_space<vmem>>
      %dma_start3A_114 = tpu.memref_slice %arg17[%add3A_39] : memref<80128xf32, #tpu.memory_space<vmem_shared>> -> memref<1280xf32, #tpu.memory_space<vmem_shared>>
      %dma_start3A_115 = tpu.memref_slice %arg17[%add3A_39] : memref<80128xf32, #tpu.memory_space<vmem_shared>> -> memref<1280xf32, #tpu.memory_space<vmem_shared>>
      %dma_start3A_116 = arith.constant 0 : i32
      %dma_start3A_117 = tpu.memref_slice %arg15[%dma_start3A_116] : memref<1280xf32, #tpu.memory_space<vmem>> -> memref<1280xf32, #tpu.memory_space<vmem>>
      tpu.enqueue_dma source(%dma_start3A_117 : memref<1280xf32, #tpu.memory_space<vmem>>) target(%dma_start3A_115 : memref<1280xf32, #tpu.memory_space<vmem_shared>>) target_semaphore(%run_scoped3A : memref<!tpu.dma_semaphore, #tpu.memory_space<semaphore_mem>>)
      %dma_wait3A_118 = arith.constant 0 : i32
      %dma_wait3A_119 = tpu.memref_slice %arg15[%dma_wait3A_118] : memref<1280xf32, #tpu.memory_space<vmem>> -> memref<1280xf32, #tpu.memory_space<vmem>>
      %dma_wait3A_120 = tpu.memref_slice %arg17[%add3A_39] : memref<80128xf32, #tpu.memory_space<vmem_shared>> -> memref<1280xf32, #tpu.memory_space<vmem_shared>>
      %dma_wait3A_121 = tpu.memref_slice %arg17[%add3A_39] : memref<80128xf32, #tpu.memory_space<vmem_shared>> -> memref<1280xf32, #tpu.memory_space<vmem_shared>>
      %dma_wait3A_122 = arith.constant 0 : i32
      %dma_wait3A_123 = tpu.memref_slice %arg15[%dma_wait3A_122] : memref<1280xf32, #tpu.memory_space<vmem>> -> memref<1280xf32, #tpu.memory_space<vmem>>
      tpu.wait_dma2 semaphore(%run_scoped3A : memref<!tpu.dma_semaphore, #tpu.memory_space<semaphore_mem>>) src(%dma_wait3A_123 : memref<1280xf32, #tpu.memory_space<vmem>>) dst(%dma_wait3A_121 : memref<1280xf32, #tpu.memory_space<vmem_shared>>)
      tpu.yield
    }) : () -> ()
    %mul3A_40 = arith.constant 4992 : i32
    %mul3A_41 = arith.muli %arg1, %mul3A_40 : i32
    %add3A_42 = arith.constant 1280 : i32
    %add3A_43 = arith.addi %mul3A_41, %add3A_42 : i32
    "tpu.region"() ({
      %run_scoped3A = tpu.sem_alloc : memref<!tpu.dma_semaphore, #tpu.memory_space<semaphore_mem>>
      %dma_start3A_112 = arith.constant 0 : i32
      %dma_start3A_113 = tpu.memref_slice %arg15[%dma_start3A_112] : memref<1280xf32, #tpu.memory_space<vmem>> -> memref<1280xf32, #tpu.memory_space<vmem>>
      %dma_start3A_114 = tpu.memref_slice %arg17[%add3A_43] : memref<80128xf32, #tpu.memory_space<vmem_shared>> -> memref<1280xf32, #tpu.memory_space<vmem_shared>>
      %dma_start3A_115 = tpu.memref_slice %arg17[%add3A_43] : memref<80128xf32, #tpu.memory_space<vmem_shared>> -> memref<1280xf32, #tpu.memory_space<vmem_shared>>
      %dma_start3A_116 = arith.constant 0 : i32
      %dma_start3A_117 = tpu.memref_slice %arg15[%dma_start3A_116] : memref<1280xf32, #tpu.memory_space<vmem>> -> memref<1280xf32, #tpu.memory_space<vmem>>
      tpu.enqueue_dma source(%dma_start3A_117 : memref<1280xf32, #tpu.memory_space<vmem>>) target(%dma_start3A_115 : memref<1280xf32, #tpu.memory_space<vmem_shared>>) target_semaphore(%run_scoped3A : memref<!tpu.dma_semaphore, #tpu.memory_space<semaphore_mem>>)
      %dma_wait3A_118 = arith.constant 0 : i32
      %dma_wait3A_119 = tpu.memref_slice %arg15[%dma_wait3A_118] : memref<1280xf32, #tpu.memory_space<vmem>> -> memref<1280xf32, #tpu.memory_space<vmem>>
      %dma_wait3A_120 = tpu.memref_slice %arg17[%add3A_43] : memref<80128xf32, #tpu.memory_space<vmem_shared>> -> memref<1280xf32, #tpu.memory_space<vmem_shared>>
      %dma_wait3A_121 = tpu.memref_slice %arg17[%add3A_43] : memref<80128xf32, #tpu.memory_space<vmem_shared>> -> memref<1280xf32, #tpu.memory_space<vmem_shared>>
      %dma_wait3A_122 = arith.constant 0 : i32
      %dma_wait3A_123 = tpu.memref_slice %arg15[%dma_wait3A_122] : memref<1280xf32, #tpu.memory_space<vmem>> -> memref<1280xf32, #tpu.memory_space<vmem>>
      tpu.wait_dma2 semaphore(%run_scoped3A : memref<!tpu.dma_semaphore, #tpu.memory_space<semaphore_mem>>) src(%dma_wait3A_123 : memref<1280xf32, #tpu.memory_space<vmem>>) dst(%dma_wait3A_121 : memref<1280xf32, #tpu.memory_space<vmem_shared>>)
      tpu.yield
    }) : () -> ()
    %mul3A_44 = arith.constant 4992 : i32
    %mul3A_45 = arith.muli %arg1, %mul3A_44 : i32
    %add3A_46 = arith.constant 2560 : i32
    %add3A_47 = arith.addi %mul3A_45, %add3A_46 : i32
    "tpu.region"() ({
      %run_scoped3A = tpu.sem_alloc : memref<!tpu.dma_semaphore, #tpu.memory_space<semaphore_mem>>
      %dma_start3A_112 = arith.constant 0 : i32
      %dma_start3A_113 = tpu.memref_slice %arg15[%dma_start3A_112] : memref<1280xf32, #tpu.memory_space<vmem>> -> memref<1280xf32, #tpu.memory_space<vmem>>
      %dma_start3A_114 = tpu.memref_slice %arg17[%add3A_47] : memref<80128xf32, #tpu.memory_space<vmem_shared>> -> memref<1280xf32, #tpu.memory_space<vmem_shared>>
      %dma_start3A_115 = tpu.memref_slice %arg17[%add3A_47] : memref<80128xf32, #tpu.memory_space<vmem_shared>> -> memref<1280xf32, #tpu.memory_space<vmem_shared>>
      %dma_start3A_116 = arith.constant 0 : i32
      %dma_start3A_117 = tpu.memref_slice %arg15[%dma_start3A_116] : memref<1280xf32, #tpu.memory_space<vmem>> -> memref<1280xf32, #tpu.memory_space<vmem>>
      tpu.enqueue_dma source(%dma_start3A_117 : memref<1280xf32, #tpu.memory_space<vmem>>) target(%dma_start3A_115 : memref<1280xf32, #tpu.memory_space<vmem_shared>>) target_semaphore(%run_scoped3A : memref<!tpu.dma_semaphore, #tpu.memory_space<semaphore_mem>>)
      %dma_wait3A_118 = arith.constant 0 : i32
      %dma_wait3A_119 = tpu.memref_slice %arg15[%dma_wait3A_118] : memref<1280xf32, #tpu.memory_space<vmem>> -> memref<1280xf32, #tpu.memory_space<vmem>>
      %dma_wait3A_120 = tpu.memref_slice %arg17[%add3A_47] : memref<80128xf32, #tpu.memory_space<vmem_shared>> -> memref<1280xf32, #tpu.memory_space<vmem_shared>>
      %dma_wait3A_121 = tpu.memref_slice %arg17[%add3A_47] : memref<80128xf32, #tpu.memory_space<vmem_shared>> -> memref<1280xf32, #tpu.memory_space<vmem_shared>>
      %dma_wait3A_122 = arith.constant 0 : i32
      %dma_wait3A_123 = tpu.memref_slice %arg15[%dma_wait3A_122] : memref<1280xf32, #tpu.memory_space<vmem>> -> memref<1280xf32, #tpu.memory_space<vmem>>
      tpu.wait_dma2 semaphore(%run_scoped3A : memref<!tpu.dma_semaphore, #tpu.memory_space<semaphore_mem>>) src(%dma_wait3A_123 : memref<1280xf32, #tpu.memory_space<vmem>>) dst(%dma_wait3A_121 : memref<1280xf32, #tpu.memory_space<vmem_shared>>)
      tpu.yield
    }) : () -> ()
    %mul3A_48 = arith.constant 4992 : i32
    %mul3A_49 = arith.muli %arg1, %mul3A_48 : i32
    %add3A_50 = arith.constant 3840 : i32
    %add3A_51 = arith.addi %mul3A_49, %add3A_50 : i32
    "tpu.region"() ({
      %run_scoped3A = tpu.sem_alloc : memref<!tpu.dma_semaphore, #tpu.memory_space<semaphore_mem>>
      %dma_start3A_112 = arith.constant 0 : i32
      %dma_start3A_113 = tpu.memref_slice %arg15[%dma_start3A_112] : memref<1280xf32, #tpu.memory_space<vmem>> -> memref<1152xf32, #tpu.memory_space<vmem>>
      %dma_start3A_114 = tpu.memref_slice %arg17[%add3A_51] : memref<80128xf32, #tpu.memory_space<vmem_shared>> -> memref<1152xf32, #tpu.memory_space<vmem_shared>>
      %dma_start3A_115 = tpu.memref_slice %arg17[%add3A_51] : memref<80128xf32, #tpu.memory_space<vmem_shared>> -> memref<1152xf32, #tpu.memory_space<vmem_shared>>
      %dma_start3A_116 = arith.constant 0 : i32
      %dma_start3A_117 = tpu.memref_slice %arg15[%dma_start3A_116] : memref<1280xf32, #tpu.memory_space<vmem>> -> memref<1152xf32, #tpu.memory_space<vmem>>
      tpu.enqueue_dma source(%dma_start3A_117 : memref<1152xf32, #tpu.memory_space<vmem>>) target(%dma_start3A_115 : memref<1152xf32, #tpu.memory_space<vmem_shared>>) target_semaphore(%run_scoped3A : memref<!tpu.dma_semaphore, #tpu.memory_space<semaphore_mem>>)
      %dma_wait3A_118 = arith.constant 0 : i32
      %dma_wait3A_119 = tpu.memref_slice %arg15[%dma_wait3A_118] : memref<1280xf32, #tpu.memory_space<vmem>> -> memref<1152xf32, #tpu.memory_space<vmem>>
      %dma_wait3A_120 = tpu.memref_slice %arg17[%add3A_51] : memref<80128xf32, #tpu.memory_space<vmem_shared>> -> memref<1152xf32, #tpu.memory_space<vmem_shared>>
      %dma_wait3A_121 = tpu.memref_slice %arg17[%add3A_51] : memref<80128xf32, #tpu.memory_space<vmem_shared>> -> memref<1152xf32, #tpu.memory_space<vmem_shared>>
      %dma_wait3A_122 = arith.constant 0 : i32
      %dma_wait3A_123 = tpu.memref_slice %arg15[%dma_wait3A_122] : memref<1280xf32, #tpu.memory_space<vmem>> -> memref<1152xf32, #tpu.memory_space<vmem>>
      tpu.wait_dma2 semaphore(%run_scoped3A : memref<!tpu.dma_semaphore, #tpu.memory_space<semaphore_mem>>) src(%dma_wait3A_123 : memref<1152xf32, #tpu.memory_space<vmem>>) dst(%dma_wait3A_121 : memref<1152xf32, #tpu.memory_space<vmem_shared>>)
      tpu.yield
    }) : () -> ()
    %eq3A = arith.constant 15 : i32
    %eq3A_52 = arith.cmpi eq, %arg1, %eq3A : i32
    %convert_element_type3A = arith.extui %eq3A_52 : i1 to i32
    %cond3A = arith.constant 0 : i32
    %cond3A_53 = arith.cmpi ne, %convert_element_type3A, %cond3A : i32
    scf.if %cond3A_53 {
      "tpu.region"() ({
        %run_scoped3A = tpu.sem_alloc : memref<!tpu.dma_semaphore, #tpu.memory_space<semaphore_mem>>
        %dma_start3A_112 = arith.constant 0 : i32
        %dma_start3A_113 = arith.constant 0 : i32
        %dma_start3A_114 = tpu.memref_slice %arg8[%dma_start3A_112, %dma_start3A_113] : memref<80x128xf32, #tpu.memory_space<vmem>> -> memref<16x128xf32, #tpu.memory_space<vmem>>
        %dma_start3A_115 = arith.constant 4992 : i32
        %dma_start3A_116 = arith.constant 0 : i32
        %dma_start3A_117 = tpu.memref_slice %arg16[%dma_start3A_115, %dma_start3A_116] : memref<5008x128xf32, #tpu.memory_space<vmem_shared>> -> memref<16x128xf32, #tpu.memory_space<vmem_shared>>
        %dma_start3A_118 = arith.constant 4992 : i32
        %dma_start3A_119 = arith.constant 0 : i32
        %dma_start3A_120 = tpu.memref_slice %arg16[%dma_start3A_118, %dma_start3A_119] : memref<5008x128xf32, #tpu.memory_space<vmem_shared>> -> memref<16x128xf32, #tpu.memory_space<vmem_shared>>
        %dma_start3A_121 = arith.constant 0 : i32
        %dma_start3A_122 = arith.constant 0 : i32
        %dma_start3A_123 = tpu.memref_slice %arg8[%dma_start3A_121, %dma_start3A_122] : memref<80x128xf32, #tpu.memory_space<vmem>> -> memref<16x128xf32, #tpu.memory_space<vmem>>
        tpu.enqueue_dma source(%dma_start3A_123 : memref<16x128xf32, #tpu.memory_space<vmem>>) target(%dma_start3A_120 : memref<16x128xf32, #tpu.memory_space<vmem_shared>>) target_semaphore(%run_scoped3A : memref<!tpu.dma_semaphore, #tpu.memory_space<semaphore_mem>>)
        %dma_wait3A_124 = arith.constant 0 : i32
        %dma_wait3A_125 = arith.constant 0 : i32
        %dma_wait3A_126 = tpu.memref_slice %arg8[%dma_wait3A_124, %dma_wait3A_125] : memref<80x128xf32, #tpu.memory_space<vmem>> -> memref<16x128xf32, #tpu.memory_space<vmem>>
        %dma_wait3A_127 = arith.constant 4992 : i32
        %dma_wait3A_128 = arith.constant 0 : i32
        %dma_wait3A_129 = tpu.memref_slice %arg16[%dma_wait3A_127, %dma_wait3A_128] : memref<5008x128xf32, #tpu.memory_space<vmem_shared>> -> memref<16x128xf32, #tpu.memory_space<vmem_shared>>
        %dma_wait3A_130 = arith.constant 4992 : i32
        %dma_wait3A_131 = arith.constant 0 : i32
        %dma_wait3A_132 = tpu.memref_slice %arg16[%dma_wait3A_130, %dma_wait3A_131] : memref<5008x128xf32, #tpu.memory_space<vmem_shared>> -> memref<16x128xf32, #tpu.memory_space<vmem_shared>>
        %dma_wait3A_133 = arith.constant 0 : i32
        %dma_wait3A_134 = arith.constant 0 : i32
        %dma_wait3A_135 = tpu.memref_slice %arg8[%dma_wait3A_133, %dma_wait3A_134] : memref<80x128xf32, #tpu.memory_space<vmem>> -> memref<16x128xf32, #tpu.memory_space<vmem>>
        tpu.wait_dma2 semaphore(%run_scoped3A : memref<!tpu.dma_semaphore, #tpu.memory_space<semaphore_mem>>) src(%dma_wait3A_135 : memref<16x128xf32, #tpu.memory_space<vmem>>) dst(%dma_wait3A_132 : memref<16x128xf32, #tpu.memory_space<vmem_shared>>)
        tpu.yield
      }) : () -> ()
      "tpu.region"() ({
        %run_scoped3A = tpu.sem_alloc : memref<!tpu.dma_semaphore, #tpu.memory_space<semaphore_mem>>
        %dma_start3A_112 = arith.constant 0 : i32
        %dma_start3A_113 = tpu.memref_slice %arg15[%dma_start3A_112] : memref<1280xf32, #tpu.memory_space<vmem>> -> memref<256xf32, #tpu.memory_space<vmem>>
        %dma_start3A_114 = arith.constant 79872 : i32
        %dma_start3A_115 = tpu.memref_slice %arg17[%dma_start3A_114] : memref<80128xf32, #tpu.memory_space<vmem_shared>> -> memref<256xf32, #tpu.memory_space<vmem_shared>>
        %dma_start3A_116 = arith.constant 79872 : i32
        %dma_start3A_117 = tpu.memref_slice %arg17[%dma_start3A_116] : memref<80128xf32, #tpu.memory_space<vmem_shared>> -> memref<256xf32, #tpu.memory_space<vmem_shared>>
        %dma_start3A_118 = arith.constant 0 : i32
        %dma_start3A_119 = tpu.memref_slice %arg15[%dma_start3A_118] : memref<1280xf32, #tpu.memory_space<vmem>> -> memref<256xf32, #tpu.memory_space<vmem>>
        tpu.enqueue_dma source(%dma_start3A_119 : memref<256xf32, #tpu.memory_space<vmem>>) target(%dma_start3A_117 : memref<256xf32, #tpu.memory_space<vmem_shared>>) target_semaphore(%run_scoped3A : memref<!tpu.dma_semaphore, #tpu.memory_space<semaphore_mem>>)
        %dma_wait3A_120 = arith.constant 0 : i32
        %dma_wait3A_121 = tpu.memref_slice %arg15[%dma_wait3A_120] : memref<1280xf32, #tpu.memory_space<vmem>> -> memref<256xf32, #tpu.memory_space<vmem>>
        %dma_wait3A_122 = arith.constant 79872 : i32
        %dma_wait3A_123 = tpu.memref_slice %arg17[%dma_wait3A_122] : memref<80128xf32, #tpu.memory_space<vmem_shared>> -> memref<256xf32, #tpu.memory_space<vmem_shared>>
        %dma_wait3A_124 = arith.constant 79872 : i32
        %dma_wait3A_125 = tpu.memref_slice %arg17[%dma_wait3A_124] : memref<80128xf32, #tpu.memory_space<vmem_shared>> -> memref<256xf32, #tpu.memory_space<vmem_shared>>
        %dma_wait3A_126 = arith.constant 0 : i32
        %dma_wait3A_127 = tpu.memref_slice %arg15[%dma_wait3A_126] : memref<1280xf32, #tpu.memory_space<vmem>> -> memref<256xf32, #tpu.memory_space<vmem>>
        tpu.wait_dma2 semaphore(%run_scoped3A : memref<!tpu.dma_semaphore, #tpu.memory_space<semaphore_mem>>) src(%dma_wait3A_127 : memref<256xf32, #tpu.memory_space<vmem>>) dst(%dma_wait3A_125 : memref<256xf32, #tpu.memory_space<vmem_shared>>)
        tpu.yield
      }) : () -> ()
    } else {
    }
    %barrier3A = arith.constant 0 : index
    tpu.barrier barrier_id(%barrier3A)
    %dma_start3A = arith.constant 0 : i32
    %dma_start3A_54 = arith.constant 0 : i32
    %dma_start3A_55 = tpu.memref_slice %arg3[%arg1, %dma_start3A, %dma_start3A_54] : memref<16x250x240xi32, #tpu.memory_space<hbm>> -> memref<1x1x240xi32, #tpu.memory_space<hbm>>
    %dma_start3A_56 = tpu.memref_squeeze %dma_start3A_55 : memref<1x1x240xi32, #tpu.memory_space<hbm>> -> memref<240xi32, #tpu.memory_space<hbm>>
    %dma_start3A_57 = arith.constant 0 : i32
    %dma_start3A_58 = tpu.memref_slice %arg3[%arg1, %dma_start3A, %dma_start3A_57] : memref<16x250x240xi32, #tpu.memory_space<hbm>> -> memref<1x1x240xi32, #tpu.memory_space<hbm>>
    %dma_start3A_59 = tpu.memref_squeeze %dma_start3A_58 : memref<1x1x240xi32, #tpu.memory_space<hbm>> -> memref<240xi32, #tpu.memory_space<hbm>>
    tpu.enqueue_dma source(%dma_start3A_59 : memref<240xi32, #tpu.memory_space<hbm>>) target(%arg6 : memref<240xi32, #tpu.memory_space<vmem>>) target_semaphore(%arg18 : memref<!tpu.dma_semaphore, #tpu.memory_space<semaphore_mem>>)
    %dma_wait3A = arith.constant 0 : i32
    %dma_wait3A_60 = arith.constant 0 : i32
    %dma_wait3A_61 = tpu.memref_slice %arg3[%arg1, %dma_wait3A, %dma_wait3A_60] : memref<16x250x240xi32, #tpu.memory_space<hbm>> -> memref<1x1x240xi32, #tpu.memory_space<hbm>>
    %dma_wait3A_62 = tpu.memref_squeeze %dma_wait3A_61 : memref<1x1x240xi32, #tpu.memory_space<hbm>> -> memref<240xi32, #tpu.memory_space<hbm>>
    %dma_wait3A_63 = arith.constant 0 : i32
    %dma_wait3A_64 = tpu.memref_slice %arg3[%arg1, %dma_wait3A, %dma_wait3A_63] : memref<16x250x240xi32, #tpu.memory_space<hbm>> -> memref<1x1x240xi32, #tpu.memory_space<hbm>>
    %dma_wait3A_65 = tpu.memref_squeeze %dma_wait3A_64 : memref<1x1x240xi32, #tpu.memory_space<hbm>> -> memref<240xi32, #tpu.memory_space<hbm>>
    tpu.wait_dma2 semaphore(%arg18 : memref<!tpu.dma_semaphore, #tpu.memory_space<semaphore_mem>>) src(%dma_wait3A_65 : memref<240xi32, #tpu.memory_space<hbm>>) dst(%arg6 : memref<240xi32, #tpu.memory_space<vmem>>)
    %dma_start3A_66 = arith.constant 0 : i32
    %dma_start3A_67 = tpu.memref_slice %arg6[%dma_start3A_66] : memref<240xi32, #tpu.memory_space<vmem>> -> memref<80xi32, #tpu.memory_space<vmem>>
    %dma_start3A_68 = arith.constant 0 : i32
    %dma_start3A_69 = arith.constant 0 : i32
    %dma_start3A_70 = tpu.memref_slice %arg2[%dma_start3A_68, %dma_start3A_69] : memref<10000x128xf32, #tpu.memory_space<hbm>> -> memref<10000x128xf32, #tpu.memory_space<hbm>>
    tpu.enqueue_indirect_dma source(%dma_start3A_70 : memref<10000x128xf32, #tpu.memory_space<hbm>>) target(%arg8 : memref<80x128xf32, #tpu.memory_space<vmem>>) offsets(%dma_start3A_67 : memref<80xi32, #tpu.memory_space<vmem>>) semaphore(%arg20 : memref<!tpu.dma_semaphore, #tpu.memory_space<semaphore_mem>>)
    %dma_start3A_71 = arith.constant 1 : i32
    %dma_start3A_72 = arith.constant 0 : i32
    %dma_start3A_73 = tpu.memref_slice %arg3[%arg1, %dma_start3A_71, %dma_start3A_72] : memref<16x250x240xi32, #tpu.memory_space<hbm>> -> memref<1x1x240xi32, #tpu.memory_space<hbm>>
    %dma_start3A_74 = tpu.memref_squeeze %dma_start3A_73 : memref<1x1x240xi32, #tpu.memory_space<hbm>> -> memref<240xi32, #tpu.memory_space<hbm>>
    %dma_start3A_75 = arith.constant 0 : i32
    %dma_start3A_76 = tpu.memref_slice %arg3[%arg1, %dma_start3A_71, %dma_start3A_75] : memref<16x250x240xi32, #tpu.memory_space<hbm>> -> memref<1x1x240xi32, #tpu.memory_space<hbm>>
    %dma_start3A_77 = tpu.memref_squeeze %dma_start3A_76 : memref<1x1x240xi32, #tpu.memory_space<hbm>> -> memref<240xi32, #tpu.memory_space<hbm>>
    tpu.enqueue_dma source(%dma_start3A_77 : memref<240xi32, #tpu.memory_space<hbm>>) target(%arg7 : memref<240xi32, #tpu.memory_space<vmem>>) target_semaphore(%arg19 : memref<!tpu.dma_semaphore, #tpu.memory_space<semaphore_mem>>)
    %scan3A_78 = arith.constant 0 : i32
    %scan3A_79 = arith.constant 0 : i32
    %scan3A_80 = arith.constant 125 : i32
    %scan3A_81 = arith.addi %scan3A_79, %scan3A_80 : i32
    %scan3A_82 = arith.constant 1 : i32
    scf.for %scan3A_112 = %scan3A_79 to %scan3A_81 step %scan3A_82  : i32 {
      %mul3A_113 = arith.constant 2 : i32
      %mul3A_114 = arith.muli %mul3A_113, %scan3A_112 : i32
      %ge3A = arith.constant 1 : i32
      %ge3A_115 = arith.cmpi sge, %mul3A_114, %ge3A : i32
      %convert_element_type3A_116 = arith.extui %ge3A_115 : i1 to i32
      %cond3A_117 = arith.constant 0 : i32
      %cond3A_118 = arith.cmpi ne, %convert_element_type3A_116, %cond3A_117 : i32
      scf.if %cond3A_118 {
        %dma_wait3A_189 = arith.constant 0 : i32
        %dma_wait3A_190 = arith.constant 0 : i32
        %dma_wait3A_191 = tpu.memref_slice %arg16[%dma_wait3A_189, %dma_wait3A_190] : memref<5008x128xf32, #tpu.memory_space<vmem_shared>> -> memref<80x128xf32, #tpu.memory_space<vmem_shared>>
        %dma_wait3A_192 = arith.constant 0 : i32
        %dma_wait3A_193 = arith.constant 0 : i32
        %dma_wait3A_194 = tpu.memref_slice %arg16[%dma_wait3A_192, %dma_wait3A_193] : memref<5008x128xf32, #tpu.memory_space<vmem_shared>> -> memref<80x128xf32, #tpu.memory_space<vmem_shared>>
        tpu.wait_dma2 semaphore(%arg23 : memref<!tpu.dma_semaphore, #tpu.memory_space<semaphore_mem>>) src(%arg9 : memref<80x128xf32, #tpu.memory_space<vmem>>) dst(%dma_wait3A_194 : memref<80x128xf32, #tpu.memory_space<vmem_shared>>)
        %dma_wait3A_195 = arith.constant 0 : i32
        %dma_wait3A_196 = tpu.memref_slice %arg17[%dma_wait3A_195] : memref<80128xf32, #tpu.memory_space<vmem_shared>> -> memref<80xf32, #tpu.memory_space<vmem_shared>>
        %dma_wait3A_197 = arith.constant 0 : i32
        %dma_wait3A_198 = tpu.memref_slice %arg17[%dma_wait3A_197] : memref<80128xf32, #tpu.memory_space<vmem_shared>> -> memref<80xf32, #tpu.memory_space<vmem_shared>>
        tpu.wait_dma2 semaphore(%arg25 : memref<!tpu.dma_semaphore, #tpu.memory_space<semaphore_mem>>) src(%arg10 : memref<80xf32, #tpu.memory_space<vmem>>) dst(%dma_wait3A_198 : memref<80xf32, #tpu.memory_space<vmem_shared>>)
      } else {
      }
      %dma_wait3A_119 = arith.constant 0 : i32
      %dma_wait3A_120 = arith.constant 0 : i32
      %dma_wait3A_121 = tpu.memref_slice %arg2[%dma_wait3A_119, %dma_wait3A_120] : memref<10000x128xf32, #tpu.memory_space<hbm>> -> memref<80x128xf32, #tpu.memory_space<hbm>>
      %dma_wait3A_122 = arith.constant 0 : i32
      %dma_wait3A_123 = arith.constant 0 : i32
      %dma_wait3A_124 = tpu.memref_slice %arg2[%dma_wait3A_122, %dma_wait3A_123] : memref<10000x128xf32, #tpu.memory_space<hbm>> -> memref<80x128xf32, #tpu.memory_space<hbm>>
      tpu.wait_dma2 semaphore(%arg20 : memref<!tpu.dma_semaphore, #tpu.memory_space<semaphore_mem>>) src(%dma_wait3A_124 : memref<80x128xf32, #tpu.memory_space<hbm>>) dst(%arg8 : memref<80x128xf32, #tpu.memory_space<vmem>>)
      %scan3A_125 = arith.constant 0 : i32
      %scan3A_126 = arith.constant 0 : i32
      %scan3A_127 = arith.constant 5 : i32
      %scan3A_128 = arith.addi %scan3A_126, %scan3A_127 : i32
      %scan3A_129 = arith.constant 1 : i32
      scf.for %scan3A_189 = %scan3A_126 to %scan3A_128 step %scan3A_129  : i32 {
        %mul3A_190 = arith.constant 16 : i32
        %mul3A_191 = arith.muli %scan3A_189, %mul3A_190 : i32
        %add3A_192 = arith.constant 80 : i32
        %add3A_193 = arith.addi %add3A_192, %mul3A_191 : i32
        %get3A = arith.index_cast %add3A_193 : i32 to index
        %get3A_194 = tpu.vector_load %arg6[%get3A] {strides = array<i32>} : memref<240xi32, #tpu.memory_space<vmem>>, vector<16xi32>,
        %get3A_195 = vector.shape_cast %get3A_194 : vector<16xi32> to vector<16xi32>
        %mul3A_196 = arith.constant 16 : i32
        %mul3A_197 = arith.muli %scan3A_189, %mul3A_196 : i32
        %add3A_198 = arith.constant 160 : i32
        %add3A_199 = arith.addi %add3A_198, %mul3A_197 : i32
        %get3A_200 = arith.index_cast %add3A_199 : i32 to index
        %get3A_201 = tpu.vector_load %arg6[%get3A_200] {strides = array<i32>} : memref<240xi32, #tpu.memory_space<vmem>>, vector<16xi32>,
        %get3A_202 = vector.shape_cast %get3A_201 : vector<16xi32> to vector<16xi32>
        %sub3A = vector.broadcast %mul3A_0 : i32 to vector<16xi32>
        %sub3A_203 = arith.subi %get3A_195, %sub3A : vector<16xi32>
        %ge3A_204 = arith.constant 0 : i32
        %ge3A_205 = vector.broadcast %ge3A_204 : i32 to vector<16xi32>
        %ge3A_206 = arith.cmpi sge, %sub3A_203, %ge3A_205 : vector<16xi32>
        %lt3A_207 = arith.constant 5000 : i32
        %lt3A_208 = vector.broadcast %lt3A_207 : i32 to vector<16xi32>
        %lt3A_209 = arith.cmpi slt, %sub3A_203, %lt3A_208 : vector<16xi32>
        %and3A = arith.andi %ge3A_206, %lt3A_209 : vector<16xi1>
        %jit3A = arith.constant 5000 : i32
        %broadcast_in_dim3A_210 = vector.broadcast %jit3A : i32 to vector<16xi32>
        %select_n3A = arith.select %and3A, %sub3A_203, %broadcast_in_dim3A_210 : vector<16xi1>, vector<16xi32>
        %mul3A_211 = arith.constant 16 : i32
        %mul3A_212 = arith.muli %scan3A_189, %mul3A_211 : i32
        %swap3A = arith.index_cast %mul3A_212 : i32 to index
        %swap3A_213 = tpu.vector_load %arg11[%swap3A] {strides = array<i32>} : memref<80xi32, #tpu.memory_space<vmem>>, vector<16xi32>,
        %swap3A_214 = vector.shape_cast %swap3A_213 : vector<16xi32> to vector<16xi32>
        %swap3A_215 = vector.shape_cast %select_n3A : vector<16xi32> to vector<16xi32>
        tpu.vector_store %arg11[%swap3A], %swap3A_215 {strides = array<i32>} : memref<80xi32, #tpu.memory_space<vmem>>, vector<16xi32>,
        %mul3A_216 = arith.constant 16 : i32
        %mul3A_217 = vector.broadcast %mul3A_216 : i32 to vector<16xi32>
        %mul3A_218 = arith.muli %sub3A_203, %mul3A_217 : vector<16xi32>
        %add3A_219 = arith.addi %mul3A_218, %get3A_202 : vector<16xi32>
        %jit3A_220 = arith.constant 80000 : i32
        %broadcast_in_dim3A_221 = vector.broadcast %jit3A_220 : i32 to vector<16xi32>
        %select_n3A_222 = arith.select %and3A, %add3A_219, %broadcast_in_dim3A_221 : vector<16xi1>, vector<16xi32>
        %mul3A_223 = arith.constant 16 : i32
        %mul3A_224 = arith.muli %scan3A_189, %mul3A_223 : i32
        %swap3A_225 = arith.index_cast %mul3A_224 : i32 to index
        %swap3A_226 = tpu.vector_load %arg13[%swap3A_225] {strides = array<i32>} : memref<80xi32, #tpu.memory_space<vmem>>, vector<16xi32>,
        %swap3A_227 = vector.shape_cast %swap3A_226 : vector<16xi32> to vector<16xi32>
        %swap3A_228 = vector.shape_cast %select_n3A_222 : vector<16xi32> to vector<16xi32>
        tpu.vector_store %arg13[%swap3A_225], %swap3A_228 {strides = array<i32>} : memref<80xi32, #tpu.memory_space<vmem>>, vector<16xi32>,
      }
      %scan3A_130 = arith.constant 5 : i32
      %add3A_131 = arith.constant 1 : i32
      %add3A_132 = arith.addi %mul3A_114, %add3A_131 : i32
      %lt3A = arith.constant 250 : i32
      %lt3A_133 = arith.cmpi slt, %add3A_132, %lt3A : i32
      %convert_element_type3A_134 = arith.extui %lt3A_133 : i1 to i32
      %cond3A_135 = arith.constant 0 : i32
      %cond3A_136 = arith.cmpi ne, %convert_element_type3A_134, %cond3A_135 : i32
      scf.if %cond3A_136 {
        %dma_wait3A_189 = arith.constant 0 : i32
        %dma_wait3A_190 = arith.constant 0 : i32
        %dma_wait3A_191 = tpu.memref_slice %arg3[%arg1, %dma_wait3A_189, %dma_wait3A_190] : memref<16x250x240xi32, #tpu.memory_space<hbm>> -> memref<1x1x240xi32, #tpu.memory_space<hbm>>
        %dma_wait3A_192 = tpu.memref_squeeze %dma_wait3A_191 : memref<1x1x240xi32, #tpu.memory_space<hbm>> -> memref<240xi32, #tpu.memory_space<hbm>>
        %dma_wait3A_193 = arith.constant 0 : i32
        %dma_wait3A_194 = tpu.memref_slice %arg3[%arg1, %dma_wait3A_189, %dma_wait3A_193] : memref<16x250x240xi32, #tpu.memory_space<hbm>> -> memref<1x1x240xi32, #tpu.memory_space<hbm>>
        %dma_wait3A_195 = tpu.memref_squeeze %dma_wait3A_194 : memref<1x1x240xi32, #tpu.memory_space<hbm>> -> memref<240xi32, #tpu.memory_space<hbm>>
        tpu.wait_dma2 semaphore(%arg19 : memref<!tpu.dma_semaphore, #tpu.memory_space<semaphore_mem>>) src(%dma_wait3A_195 : memref<240xi32, #tpu.memory_space<hbm>>) dst(%arg7 : memref<240xi32, #tpu.memory_space<vmem>>)
        %dma_start3A_196 = arith.constant 0 : i32
        %dma_start3A_197 = tpu.memref_slice %arg7[%dma_start3A_196] : memref<240xi32, #tpu.memory_space<vmem>> -> memref<80xi32, #tpu.memory_space<vmem>>
        %dma_start3A_198 = arith.constant 0 : i32
        %dma_start3A_199 = arith.constant 0 : i32
        %dma_start3A_200 = tpu.memref_slice %arg2[%dma_start3A_198, %dma_start3A_199] : memref<10000x128xf32, #tpu.memory_space<hbm>> -> memref<10000x128xf32, #tpu.memory_space<hbm>>
        tpu.enqueue_indirect_dma source(%dma_start3A_200 : memref<10000x128xf32, #tpu.memory_space<hbm>>) target(%arg9 : memref<80x128xf32, #tpu.memory_space<vmem>>) offsets(%dma_start3A_197 : memref<80xi32, #tpu.memory_space<vmem>>) semaphore(%arg21 : memref<!tpu.dma_semaphore, #tpu.memory_space<semaphore_mem>>)
      } else {
      }
      %dma_start3A_137 = arith.constant 0 : i32
      %dma_start3A_138 = arith.constant 0 : i32
      %dma_start3A_139 = tpu.memref_slice %arg16[%dma_start3A_137, %dma_start3A_138] : memref<5008x128xf32, #tpu.memory_space<vmem_shared>> -> memref<5008x128xf32, #tpu.memory_space<vmem_shared>>
      tpu.enqueue_indirect_dma source(%arg8 : memref<80x128xf32, #tpu.memory_space<vmem>>) target(%dma_start3A_139 : memref<5008x128xf32, #tpu.memory_space<vmem_shared>>) offsets(%arg11 : memref<80xi32, #tpu.memory_space<vmem>>) semaphore(%arg22 : memref<!tpu.dma_semaphore, #tpu.memory_space<semaphore_mem>>) {add = true}
      %dma_start3A_140 = arith.constant 0 : i32
      %dma_start3A_141 = tpu.memref_slice %arg17[%dma_start3A_140] : memref<80128xf32, #tpu.memory_space<vmem_shared>> -> memref<80128xf32, #tpu.memory_space<vmem_shared>>
      tpu.enqueue_indirect_dma source(%arg10 : memref<80xf32, #tpu.memory_space<vmem>>) target(%dma_start3A_141 : memref<80128xf32, #tpu.memory_space<vmem_shared>>) offsets(%arg13 : memref<80xi32, #tpu.memory_space<vmem>>) semaphore(%arg24 : memref<!tpu.dma_semaphore, #tpu.memory_space<semaphore_mem>>) {add = true}
      %add3A_142 = arith.constant 2 : i32
      %add3A_143 = arith.addi %mul3A_114, %add3A_142 : i32
      %lt3A_144 = arith.constant 250 : i32
      %lt3A_145 = arith.cmpi slt, %add3A_143, %lt3A_144 : i32
      %convert_element_type3A_146 = arith.extui %lt3A_145 : i1 to i32
      %cond3A_147 = arith.constant 0 : i32
      %cond3A_148 = arith.cmpi ne, %convert_element_type3A_146, %cond3A_147 : i32
      scf.if %cond3A_148 {
        %add3A_189 = arith.constant 2 : i32
        %add3A_190 = arith.addi %mul3A_114, %add3A_189 : i32
        %dma_start3A_191 = arith.constant 0 : i32
        %dma_start3A_192 = tpu.memref_slice %arg3[%arg1, %add3A_190, %dma_start3A_191] : memref<16x250x240xi32, #tpu.memory_space<hbm>> -> memref<1x1x240xi32, #tpu.memory_space<hbm>>
        %dma_start3A_193 = tpu.memref_squeeze %dma_start3A_192 : memref<1x1x240xi32, #tpu.memory_space<hbm>> -> memref<240xi32, #tpu.memory_space<hbm>>
        %dma_start3A_194 = arith.constant 0 : i32
        %dma_start3A_195 = tpu.memref_slice %arg3[%arg1, %add3A_190, %dma_start3A_194] : memref<16x250x240xi32, #tpu.memory_space<hbm>> -> memref<1x1x240xi32, #tpu.memory_space<hbm>>
        %dma_start3A_196 = tpu.memref_squeeze %dma_start3A_195 : memref<1x1x240xi32, #tpu.memory_space<hbm>> -> memref<240xi32, #tpu.memory_space<hbm>>
        tpu.enqueue_dma source(%dma_start3A_196 : memref<240xi32, #tpu.memory_space<hbm>>) target(%arg6 : memref<240xi32, #tpu.memory_space<vmem>>) target_semaphore(%arg18 : memref<!tpu.dma_semaphore, #tpu.memory_space<semaphore_mem>>)
      } else {
      }
      %mul3A_149 = arith.constant 2 : i32
      %mul3A_150 = arith.muli %mul3A_149, %scan3A_112 : i32
      %add3A_151 = arith.constant 1 : i32
      %add3A_152 = arith.addi %mul3A_150, %add3A_151 : i32
      %ge3A_153 = arith.constant 1 : i32
      %ge3A_154 = arith.cmpi sge, %add3A_152, %ge3A_153 : i32
      %convert_element_type3A_155 = arith.extui %ge3A_154 : i1 to i32
      %cond3A_156 = arith.constant 0 : i32
      %cond3A_157 = arith.cmpi ne, %convert_element_type3A_155, %cond3A_156 : i32
      scf.if %cond3A_157 {
        %dma_wait3A_189 = arith.constant 0 : i32
        %dma_wait3A_190 = arith.constant 0 : i32
        %dma_wait3A_191 = tpu.memref_slice %arg16[%dma_wait3A_189, %dma_wait3A_190] : memref<5008x128xf32, #tpu.memory_space<vmem_shared>> -> memref<80x128xf32, #tpu.memory_space<vmem_shared>>
        %dma_wait3A_192 = arith.constant 0 : i32
        %dma_wait3A_193 = arith.constant 0 : i32
        %dma_wait3A_194 = tpu.memref_slice %arg16[%dma_wait3A_192, %dma_wait3A_193] : memref<5008x128xf32, #tpu.memory_space<vmem_shared>> -> memref<80x128xf32, #tpu.memory_space<vmem_shared>>
        tpu.wait_dma2 semaphore(%arg22 : memref<!tpu.dma_semaphore, #tpu.memory_space<semaphore_mem>>) src(%arg8 : memref<80x128xf32, #tpu.memory_space<vmem>>) dst(%dma_wait3A_194 : memref<80x128xf32, #tpu.memory_space<vmem_shared>>)
        %dma_wait3A_195 = arith.constant 0 : i32
        %dma_wait3A_196 = tpu.memref_slice %arg17[%dma_wait3A_195] : memref<80128xf32, #tpu.memory_space<vmem_shared>> -> memref<80xf32, #tpu.memory_space<vmem_shared>>
        %dma_wait3A_197 = arith.constant 0 : i32
        %dma_wait3A_198 = tpu.memref_slice %arg17[%dma_wait3A_197] : memref<80128xf32, #tpu.memory_space<vmem_shared>> -> memref<80xf32, #tpu.memory_space<vmem_shared>>
        tpu.wait_dma2 semaphore(%arg24 : memref<!tpu.dma_semaphore, #tpu.memory_space<semaphore_mem>>) src(%arg10 : memref<80xf32, #tpu.memory_space<vmem>>) dst(%dma_wait3A_198 : memref<80xf32, #tpu.memory_space<vmem_shared>>)
      } else {
      }
      %dma_wait3A_158 = arith.constant 0 : i32
      %dma_wait3A_159 = arith.constant 0 : i32
      %dma_wait3A_160 = tpu.memref_slice %arg2[%dma_wait3A_158, %dma_wait3A_159] : memref<10000x128xf32, #tpu.memory_space<hbm>> -> memref<80x128xf32, #tpu.memory_space<hbm>>
      %dma_wait3A_161 = arith.constant 0 : i32
      %dma_wait3A_162 = arith.constant 0 : i32
      %dma_wait3A_163 = tpu.memref_slice %arg2[%dma_wait3A_161, %dma_wait3A_162] : memref<10000x128xf32, #tpu.memory_space<hbm>> -> memref<80x128xf32, #tpu.memory_space<hbm>>
      tpu.wait_dma2 semaphore(%arg21 : memref<!tpu.dma_semaphore, #tpu.memory_space<semaphore_mem>>) src(%dma_wait3A_163 : memref<80x128xf32, #tpu.memory_space<hbm>>) dst(%arg9 : memref<80x128xf32, #tpu.memory_space<vmem>>)
      %scan3A_164 = arith.constant 0 : i32
      %scan3A_165 = arith.constant 0 : i32
      %scan3A_166 = arith.constant 5 : i32
      %scan3A_167 = arith.addi %scan3A_165, %scan3A_166 : i32
      %scan3A_168 = arith.constant 1 : i32
      scf.for %scan3A_189 = %scan3A_165 to %scan3A_167 step %scan3A_168  : i32 {
        %mul3A_190 = arith.constant 16 : i32
        %mul3A_191 = arith.muli %scan3A_189, %mul3A_190 : i32
        %add3A_192 = arith.constant 80 : i32
        %add3A_193 = arith.addi %add3A_192, %mul3A_191 : i32
        %get3A = arith.index_cast %add3A_193 : i32 to index
        %get3A_194 = tpu.vector_load %arg7[%get3A] {strides = array<i32>} : memref<240xi32, #tpu.memory_space<vmem>>, vector<16xi32>,
        %get3A_195 = vector.shape_cast %get3A_194 : vector<16xi32> to vector<16xi32>
        %mul3A_196 = arith.constant 16 : i32
        %mul3A_197 = arith.muli %scan3A_189, %mul3A_196 : i32
        %add3A_198 = arith.constant 160 : i32
        %add3A_199 = arith.addi %add3A_198, %mul3A_197 : i32
        %get3A_200 = arith.index_cast %add3A_199 : i32 to index
        %get3A_201 = tpu.vector_load %arg7[%get3A_200] {strides = array<i32>} : memref<240xi32, #tpu.memory_space<vmem>>, vector<16xi32>,
        %get3A_202 = vector.shape_cast %get3A_201 : vector<16xi32> to vector<16xi32>
        %sub3A = vector.broadcast %mul3A_0 : i32 to vector<16xi32>
        %sub3A_203 = arith.subi %get3A_195, %sub3A : vector<16xi32>
        %ge3A_204 = arith.constant 0 : i32
        %ge3A_205 = vector.broadcast %ge3A_204 : i32 to vector<16xi32>
        %ge3A_206 = arith.cmpi sge, %sub3A_203, %ge3A_205 : vector<16xi32>
        %lt3A_207 = arith.constant 5000 : i32
        %lt3A_208 = vector.broadcast %lt3A_207 : i32 to vector<16xi32>
        %lt3A_209 = arith.cmpi slt, %sub3A_203, %lt3A_208 : vector<16xi32>
        %and3A = arith.andi %ge3A_206, %lt3A_209 : vector<16xi1>
        %jit3A = arith.constant 5000 : i32
        %broadcast_in_dim3A_210 = vector.broadcast %jit3A : i32 to vector<16xi32>
        %select_n3A = arith.select %and3A, %sub3A_203, %broadcast_in_dim3A_210 : vector<16xi1>, vector<16xi32>
        %mul3A_211 = arith.constant 16 : i32
        %mul3A_212 = arith.muli %scan3A_189, %mul3A_211 : i32
        %swap3A = arith.index_cast %mul3A_212 : i32 to index
        %swap3A_213 = tpu.vector_load %arg12[%swap3A] {strides = array<i32>} : memref<80xi32, #tpu.memory_space<vmem>>, vector<16xi32>,
        %swap3A_214 = vector.shape_cast %swap3A_213 : vector<16xi32> to vector<16xi32>
        %swap3A_215 = vector.shape_cast %select_n3A : vector<16xi32> to vector<16xi32>
        tpu.vector_store %arg12[%swap3A], %swap3A_215 {strides = array<i32>} : memref<80xi32, #tpu.memory_space<vmem>>, vector<16xi32>,
        %mul3A_216 = arith.constant 16 : i32
        %mul3A_217 = vector.broadcast %mul3A_216 : i32 to vector<16xi32>
        %mul3A_218 = arith.muli %sub3A_203, %mul3A_217 : vector<16xi32>
        %add3A_219 = arith.addi %mul3A_218, %get3A_202 : vector<16xi32>
        %jit3A_220 = arith.constant 80000 : i32
        %broadcast_in_dim3A_221 = vector.broadcast %jit3A_220 : i32 to vector<16xi32>
        %select_n3A_222 = arith.select %and3A, %add3A_219, %broadcast_in_dim3A_221 : vector<16xi1>, vector<16xi32>
        %mul3A_223 = arith.constant 16 : i32
        %mul3A_224 = arith.muli %scan3A_189, %mul3A_223 : i32
        %swap3A_225 = arith.index_cast %mul3A_224 : i32 to index
        %swap3A_226 = tpu.vector_load %arg14[%swap3A_225] {strides = array<i32>} : memref<80xi32, #tpu.memory_space<vmem>>, vector<16xi32>,
        %swap3A_227 = vector.shape_cast %swap3A_226 : vector<16xi32> to vector<16xi32>
        %swap3A_228 = vector.shape_cast %select_n3A_222 : vector<16xi32> to vector<16xi32>
        tpu.vector_store %arg14[%swap3A_225], %swap3A_228 {strides = array<i32>} : memref<80xi32, #tpu.memory_space<vmem>>, vector<16xi32>,
      }
      %scan3A_169 = arith.constant 5 : i32
      %add3A_170 = arith.constant 1 : i32
      %add3A_171 = arith.addi %add3A_152, %add3A_170 : i32
      %lt3A_172 = arith.constant 250 : i32
      %lt3A_173 = arith.cmpi slt, %add3A_171, %lt3A_172 : i32
      %convert_element_type3A_174 = arith.extui %lt3A_173 : i1 to i32
      %cond3A_175 = arith.constant 0 : i32
      %cond3A_176 = arith.cmpi ne, %convert_element_type3A_174, %cond3A_175 : i32
      scf.if %cond3A_176 {
        %dma_wait3A_189 = arith.constant 0 : i32
        %dma_wait3A_190 = arith.constant 0 : i32
        %dma_wait3A_191 = tpu.memref_slice %arg3[%arg1, %dma_wait3A_189, %dma_wait3A_190] : memref<16x250x240xi32, #tpu.memory_space<hbm>> -> memref<1x1x240xi32, #tpu.memory_space<hbm>>
        %dma_wait3A_192 = tpu.memref_squeeze %dma_wait3A_191 : memref<1x1x240xi32, #tpu.memory_space<hbm>> -> memref<240xi32, #tpu.memory_space<hbm>>
        %dma_wait3A_193 = arith.constant 0 : i32
        %dma_wait3A_194 = tpu.memref_slice %arg3[%arg1, %dma_wait3A_189, %dma_wait3A_193] : memref<16x250x240xi32, #tpu.memory_space<hbm>> -> memref<1x1x240xi32, #tpu.memory_space<hbm>>
        %dma_wait3A_195 = tpu.memref_squeeze %dma_wait3A_194 : memref<1x1x240xi32, #tpu.memory_space<hbm>> -> memref<240xi32, #tpu.memory_space<hbm>>
        tpu.wait_dma2 semaphore(%arg18 : memref<!tpu.dma_semaphore, #tpu.memory_space<semaphore_mem>>) src(%dma_wait3A_195 : memref<240xi32, #tpu.memory_space<hbm>>) dst(%arg6 : memref<240xi32, #tpu.memory_space<vmem>>)
        %dma_start3A_196 = arith.constant 0 : i32
        %dma_start3A_197 = tpu.memref_slice %arg6[%dma_start3A_196] : memref<240xi32, #tpu.memory_space<vmem>> -> memref<80xi32, #tpu.memory_space<vmem>>
        %dma_start3A_198 = arith.constant 0 : i32
        %dma_start3A_199 = arith.constant 0 : i32
        %dma_start3A_200 = tpu.memref_slice %arg2[%dma_start3A_198, %dma_start3A_199] : memref<10000x128xf32, #tpu.memory_space<hbm>> -> memref<10000x128xf32, #tpu.memory_space<hbm>>
        tpu.enqueue_indirect_dma source(%dma_start3A_200 : memref<10000x128xf32, #tpu.memory_space<hbm>>) target(%arg8 : memref<80x128xf32, #tpu.memory_space<vmem>>) offsets(%dma_start3A_197 : memref<80xi32, #tpu.memory_space<vmem>>) semaphore(%arg20 : memref<!tpu.dma_semaphore, #tpu.memory_space<semaphore_mem>>)
      } else {
      }
      %dma_start3A_177 = arith.constant 0 : i32
      %dma_start3A_178 = arith.constant 0 : i32
      %dma_start3A_179 = tpu.memref_slice %arg16[%dma_start3A_177, %dma_start3A_178] : memref<5008x128xf32, #tpu.memory_space<vmem_shared>> -> memref<5008x128xf32, #tpu.memory_space<vmem_shared>>
      tpu.enqueue_indirect_dma source(%arg9 : memref<80x128xf32, #tpu.memory_space<vmem>>) target(%dma_start3A_179 : memref<5008x128xf32, #tpu.memory_space<vmem_shared>>) offsets(%arg12 : memref<80xi32, #tpu.memory_space<vmem>>) semaphore(%arg23 : memref<!tpu.dma_semaphore, #tpu.memory_space<semaphore_mem>>) {add = true}
      %dma_start3A_180 = arith.constant 0 : i32
      %dma_start3A_181 = tpu.memref_slice %arg17[%dma_start3A_180] : memref<80128xf32, #tpu.memory_space<vmem_shared>> -> memref<80128xf32, #tpu.memory_space<vmem_shared>>
      tpu.enqueue_indirect_dma source(%arg10 : memref<80xf32, #tpu.memory_space<vmem>>) target(%dma_start3A_181 : memref<80128xf32, #tpu.memory_space<vmem_shared>>) offsets(%arg14 : memref<80xi32, #tpu.memory_space<vmem>>) semaphore(%arg25 : memref<!tpu.dma_semaphore, #tpu.memory_space<semaphore_mem>>) {add = true}
      %add3A_182 = arith.constant 2 : i32
      %add3A_183 = arith.addi %add3A_152, %add3A_182 : i32
      %lt3A_184 = arith.constant 250 : i32
      %lt3A_185 = arith.cmpi slt, %add3A_183, %lt3A_184 : i32
      %convert_element_type3A_186 = arith.extui %lt3A_185 : i1 to i32
      %cond3A_187 = arith.constant 0 : i32
      %cond3A_188 = arith.cmpi ne, %convert_element_type3A_186, %cond3A_187 : i32
      scf.if %cond3A_188 {
        %add3A_189 = arith.constant 2 : i32
        %add3A_190 = arith.addi %add3A_152, %add3A_189 : i32
        %dma_start3A_191 = arith.constant 0 : i32
        %dma_start3A_192 = tpu.memref_slice %arg3[%arg1, %add3A_190, %dma_start3A_191] : memref<16x250x240xi32, #tpu.memory_space<hbm>> -> memref<1x1x240xi32, #tpu.memory_space<hbm>>
        %dma_start3A_193 = tpu.memref_squeeze %dma_start3A_192 : memref<1x1x240xi32, #tpu.memory_space<hbm>> -> memref<240xi32, #tpu.memory_space<hbm>>
        %dma_start3A_194 = arith.constant 0 : i32
        %dma_start3A_195 = tpu.memref_slice %arg3[%arg1, %add3A_190, %dma_start3A_194] : memref<16x250x240xi32, #tpu.memory_space<hbm>> -> memref<1x1x240xi32, #tpu.memory_space<hbm>>
        %dma_start3A_196 = tpu.memref_squeeze %dma_start3A_195 : memref<1x1x240xi32, #tpu.memory_space<hbm>> -> memref<240xi32, #tpu.memory_space<hbm>>
        tpu.enqueue_dma source(%dma_start3A_196 : memref<240xi32, #tpu.memory_space<hbm>>) target(%arg7 : memref<240xi32, #tpu.memory_space<vmem>>) target_semaphore(%arg19 : memref<!tpu.dma_semaphore, #tpu.memory_space<semaphore_mem>>)
      } else {
      }
    }
    %scan3A_83 = arith.constant 125 : i32
    %dma_wait3A_84 = arith.constant 0 : i32
    %dma_wait3A_85 = arith.constant 0 : i32
    %dma_wait3A_86 = tpu.memref_slice %arg16[%dma_wait3A_84, %dma_wait3A_85] : memref<5008x128xf32, #tpu.memory_space<vmem_shared>> -> memref<80x128xf32, #tpu.memory_space<vmem_shared>>
    %dma_wait3A_87 = arith.constant 0 : i32
    %dma_wait3A_88 = arith.constant 0 : i32
    %dma_wait3A_89 = tpu.memref_slice %arg16[%dma_wait3A_87, %dma_wait3A_88] : memref<5008x128xf32, #tpu.memory_space<vmem_shared>> -> memref<80x128xf32, #tpu.memory_space<vmem_shared>>
    tpu.wait_dma2 semaphore(%arg23 : memref<!tpu.dma_semaphore, #tpu.memory_space<semaphore_mem>>) src(%arg9 : memref<80x128xf32, #tpu.memory_space<vmem>>) dst(%dma_wait3A_89 : memref<80x128xf32, #tpu.memory_space<vmem_shared>>)
    %dma_wait3A_90 = arith.constant 0 : i32
    %dma_wait3A_91 = tpu.memref_slice %arg17[%dma_wait3A_90] : memref<80128xf32, #tpu.memory_space<vmem_shared>> -> memref<80xf32, #tpu.memory_space<vmem_shared>>
    %dma_wait3A_92 = arith.constant 0 : i32
    %dma_wait3A_93 = tpu.memref_slice %arg17[%dma_wait3A_92] : memref<80128xf32, #tpu.memory_space<vmem_shared>> -> memref<80xf32, #tpu.memory_space<vmem_shared>>
    tpu.wait_dma2 semaphore(%arg25 : memref<!tpu.dma_semaphore, #tpu.memory_space<semaphore_mem>>) src(%arg10 : memref<80xf32, #tpu.memory_space<vmem>>) dst(%dma_wait3A_93 : memref<80xf32, #tpu.memory_space<vmem_shared>>)
    %barrier3A_94 = arith.constant 0 : index
    tpu.barrier barrier_id(%barrier3A_94)
    %mul3A_95 = arith.constant 312 : i32
    %mul3A_96 = arith.muli %arg1, %mul3A_95 : i32
    %mul3A_97 = arith.constant 312 : i32
    %mul3A_98 = arith.muli %arg1, %mul3A_97 : i32
    %add3A_99 = arith.addi %mul3A_0, %mul3A_98 : i32
    "tpu.region"() ({
      %run_scoped3A = tpu.sem_alloc : memref<!tpu.dma_semaphore, #tpu.memory_space<semaphore_mem>>
      %dma_start3A_112 = arith.constant 0 : i32
      %dma_start3A_113 = tpu.memref_slice %arg4[%add3A_99, %dma_start3A_112] : memref<10000x128xf32, #tpu.memory_space<hbm>> -> memref<312x128xf32, #tpu.memory_space<hbm>>
      %dma_start3A_114 = arith.constant 0 : i32
      %dma_start3A_115 = tpu.memref_slice %arg16[%mul3A_96, %dma_start3A_114] : memref<5008x128xf32, #tpu.memory_space<vmem_shared>> -> memref<312x128xf32, #tpu.memory_space<vmem_shared>>
      tpu.enqueue_dma source(%dma_start3A_115 : memref<312x128xf32, #tpu.memory_space<vmem_shared>>) target(%dma_start3A_113 : memref<312x128xf32, #tpu.memory_space<hbm>>) target_semaphore(%run_scoped3A : memref<!tpu.dma_semaphore, #tpu.memory_space<semaphore_mem>>)
      %dma_wait3A_116 = arith.constant 0 : i32
      %dma_wait3A_117 = tpu.memref_slice %arg4[%add3A_99, %dma_wait3A_116] : memref<10000x128xf32, #tpu.memory_space<hbm>> -> memref<312x128xf32, #tpu.memory_space<hbm>>
      %dma_wait3A_118 = arith.constant 0 : i32
      %dma_wait3A_119 = tpu.memref_slice %arg16[%mul3A_96, %dma_wait3A_118] : memref<5008x128xf32, #tpu.memory_space<vmem_shared>> -> memref<312x128xf32, #tpu.memory_space<vmem_shared>>
      tpu.wait_dma2 semaphore(%run_scoped3A : memref<!tpu.dma_semaphore, #tpu.memory_space<semaphore_mem>>) src(%dma_wait3A_119 : memref<312x128xf32, #tpu.memory_space<vmem_shared>>) dst(%dma_wait3A_117 : memref<312x128xf32, #tpu.memory_space<hbm>>)
      tpu.yield
    }) : () -> ()
    %mul3A_100 = arith.constant 4992 : i32
    %mul3A_101 = arith.muli %arg1, %mul3A_100 : i32
    %mul3A_102 = arith.constant 16 : i32
    %mul3A_103 = arith.muli %mul3A_0, %mul3A_102 : i32
    %mul3A_104 = arith.constant 4992 : i32
    %mul3A_105 = arith.muli %arg1, %mul3A_104 : i32
    %add3A_106 = arith.addi %mul3A_103, %mul3A_105 : i32
    "tpu.region"() ({
      %run_scoped3A = tpu.sem_alloc : memref<!tpu.dma_semaphore, #tpu.memory_space<semaphore_mem>>
      %dma_start3A_112 = tpu.memref_slice %arg5[%add3A_106] : memref<160000xf32, #tpu.memory_space<hbm>> -> memref<4992xf32, #tpu.memory_space<hbm>>
      %dma_start3A_113 = tpu.memref_slice %arg17[%mul3A_101] : memref<80128xf32, #tpu.memory_space<vmem_shared>> -> memref<4992xf32, #tpu.memory_space<vmem_shared>>
      tpu.enqueue_dma source(%dma_start3A_113 : memref<4992xf32, #tpu.memory_space<vmem_shared>>) target(%dma_start3A_112 : memref<4992xf32, #tpu.memory_space<hbm>>) target_semaphore(%run_scoped3A : memref<!tpu.dma_semaphore, #tpu.memory_space<semaphore_mem>>)
      %dma_wait3A_114 = tpu.memref_slice %arg5[%add3A_106] : memref<160000xf32, #tpu.memory_space<hbm>> -> memref<4992xf32, #tpu.memory_space<hbm>>
      %dma_wait3A_115 = tpu.memref_slice %arg17[%mul3A_101] : memref<80128xf32, #tpu.memory_space<vmem_shared>> -> memref<4992xf32, #tpu.memory_space<vmem_shared>>
      tpu.wait_dma2 semaphore(%run_scoped3A : memref<!tpu.dma_semaphore, #tpu.memory_space<semaphore_mem>>) src(%dma_wait3A_115 : memref<4992xf32, #tpu.memory_space<vmem_shared>>) dst(%dma_wait3A_114 : memref<4992xf32, #tpu.memory_space<hbm>>)
      tpu.yield
    }) : () -> ()
    %eq3A_107 = arith.constant 15 : i32
    %eq3A_108 = arith.cmpi eq, %arg1, %eq3A_107 : i32
    %convert_element_type3A_109 = arith.extui %eq3A_108 : i1 to i32
    %cond3A_110 = arith.constant 0 : i32
    %cond3A_111 = arith.cmpi ne, %convert_element_type3A_109, %cond3A_110 : i32
    scf.if %cond3A_111 {
      %add3A_112 = arith.constant 4992 : i32
      %add3A_113 = arith.addi %mul3A_0, %add3A_112 : i32
      "tpu.region"() ({
        %run_scoped3A = tpu.sem_alloc : memref<!tpu.dma_semaphore, #tpu.memory_space<semaphore_mem>>
        %dma_start3A_118 = arith.constant 0 : i32
        %dma_start3A_119 = tpu.memref_slice %arg4[%add3A_113, %dma_start3A_118] : memref<10000x128xf32, #tpu.memory_space<hbm>> -> memref<8x128xf32, #tpu.memory_space<hbm>>
        %dma_start3A_120 = arith.constant 4992 : i32
        %dma_start3A_121 = arith.constant 0 : i32
        %dma_start3A_122 = tpu.memref_slice %arg16[%dma_start3A_120, %dma_start3A_121] : memref<5008x128xf32, #tpu.memory_space<vmem_shared>> -> memref<8x128xf32, #tpu.memory_space<vmem_shared>>
        tpu.enqueue_dma source(%dma_start3A_122 : memref<8x128xf32, #tpu.memory_space<vmem_shared>>) target(%dma_start3A_119 : memref<8x128xf32, #tpu.memory_space<hbm>>) target_semaphore(%run_scoped3A : memref<!tpu.dma_semaphore, #tpu.memory_space<semaphore_mem>>)
        %dma_wait3A_123 = arith.constant 0 : i32
        %dma_wait3A_124 = tpu.memref_slice %arg4[%add3A_113, %dma_wait3A_123] : memref<10000x128xf32, #tpu.memory_space<hbm>> -> memref<8x128xf32, #tpu.memory_space<hbm>>
        %dma_wait3A_125 = arith.constant 4992 : i32
        %dma_wait3A_126 = arith.constant 0 : i32
        %dma_wait3A_127 = tpu.memref_slice %arg16[%dma_wait3A_125, %dma_wait3A_126] : memref<5008x128xf32, #tpu.memory_space<vmem_shared>> -> memref<8x128xf32, #tpu.memory_space<vmem_shared>>
        tpu.wait_dma2 semaphore(%run_scoped3A : memref<!tpu.dma_semaphore, #tpu.memory_space<semaphore_mem>>) src(%dma_wait3A_127 : memref<8x128xf32, #tpu.memory_space<vmem_shared>>) dst(%dma_wait3A_124 : memref<8x128xf32, #tpu.memory_space<hbm>>)
        tpu.yield
      }) : () -> ()
      %mul3A_114 = arith.constant 16 : i32
      %mul3A_115 = arith.muli %mul3A_0, %mul3A_114 : i32
      %add3A_116 = arith.constant 79872 : i32
      %add3A_117 = arith.addi %mul3A_115, %add3A_116 : i32
      "tpu.region"() ({
        %run_scoped3A = tpu.sem_alloc : memref<!tpu.dma_semaphore, #tpu.memory_space<semaphore_mem>>
        %dma_start3A_118 = tpu.memref_slice %arg5[%add3A_117] : memref<160000xf32, #tpu.memory_space<hbm>> -> memref<128xf32, #tpu.memory_space<hbm>>
        %dma_start3A_119 = arith.constant 79872 : i32
        %dma_start3A_120 = tpu.memref_slice %arg17[%dma_start3A_119] : memref<80128xf32, #tpu.memory_space<vmem_shared>> -> memref<128xf32, #tpu.memory_space<vmem_shared>>
        tpu.enqueue_dma source(%dma_start3A_120 : memref<128xf32, #tpu.memory_space<vmem_shared>>) target(%dma_start3A_118 : memref<128xf32, #tpu.memory_space<hbm>>) target_semaphore(%run_scoped3A : memref<!tpu.dma_semaphore, #tpu.memory_space<semaphore_mem>>)
        %dma_wait3A_121 = tpu.memref_slice %arg5[%add3A_117] : memref<160000xf32, #tpu.memory_space<hbm>> -> memref<128xf32, #tpu.memory_space<hbm>>
        %dma_wait3A_122 = arith.constant 79872 : i32
        %dma_wait3A_123 = tpu.memref_slice %arg17[%dma_wait3A_122] : memref<80128xf32, #tpu.memory_space<vmem_shared>> -> memref<128xf32, #tpu.memory_space<vmem_shared>>
        tpu.wait_dma2 semaphore(%run_scoped3A : memref<!tpu.dma_semaphore, #tpu.memory_space<semaphore_mem>>) src(%dma_wait3A_123 : memref<128xf32, #tpu.memory_space<vmem_shared>>) dst(%dma_wait3A_121 : memref<128xf32, #tpu.memory_space<hbm>>)
        tpu.yield
      }) : () -> ()
    } else {
    }
    return
  }
}

#map = affine_map<(d0, d1) -> (0)>
#map1 = affine_map<(d0, d1) -> (0, 0)>
module attributes {stable_mosaic.version = 14 : i64} {
  func.func @k(%arg0: i32, %arg1: i32, %arg2: memref<10000xf32, #tpu.memory_space<hbm>>, %arg3: memref<10000xf32, #tpu.memory_space<hbm>>, %arg4: memref<32x10000xi32, #tpu.memory_space<hbm>>, %arg5: memref<32x10000xi32, #tpu.memory_space<hbm>>, %arg6: memref<16xf32, #tpu.memory_space<hbm>>, %arg7: memref<32x10000xf32, #tpu.memory_space<hbm>>, %arg8: memref<32x16xf32, #tpu.memory_space<hbm>>, %arg9: memref<10000xf32, #tpu.memory_space<vmem>>, %arg10: memref<10000xf32, #tpu.memory_space<vmem>>, %arg11: memref<10000xi32, #tpu.memory_space<vmem>>, %arg12: memref<10000xi32, #tpu.memory_space<vmem>>, %arg13: memref<10000xf32, #tpu.memory_space<vmem>>, %arg14: memref<16xf32, #tpu.memory_space<vmem>>) attributes {dimension_semantics = [#tpu.dimension_semantics<core_parallel>, #tpu.dimension_semantics<subcore_parallel>], iteration_bounds = array<i64: 2, 16>, scalar_prefetch = 0 : i64, scratch_operands = 6 : i64, tpu.core_type = #tpu.core_type<sc_vector_subcore>, window_params = [{transform_indices = #map}, {transform_indices = #map}, {transform_indices = #map1}, {transform_indices = #map1}, {transform_indices = #map}, {transform_indices = #map1}, {transform_indices = #map1}]} {
    %mul3A = arith.constant 2 : i32
    %mul3A_0 = arith.muli %arg1, %mul3A : i32
    %add3A = arith.addi %mul3A_0, %arg0 : i32
    "tpu.region"() ({
      %run_scoped3A = tpu.sem_alloc : memref<!tpu.dma_semaphore, #tpu.memory_space<semaphore_mem>>
      tpu.enqueue_dma source(%arg2 : memref<10000xf32, #tpu.memory_space<hbm>>) target(%arg9 : memref<10000xf32, #tpu.memory_space<vmem>>) target_semaphore(%run_scoped3A : memref<!tpu.dma_semaphore, #tpu.memory_space<semaphore_mem>>)
      tpu.wait_dma2 semaphore(%run_scoped3A : memref<!tpu.dma_semaphore, #tpu.memory_space<semaphore_mem>>) src(%arg2 : memref<10000xf32, #tpu.memory_space<hbm>>) dst(%arg9 : memref<10000xf32, #tpu.memory_space<vmem>>)
      tpu.yield
    }) : () -> ()
    "tpu.region"() ({
      %run_scoped3A = tpu.sem_alloc : memref<!tpu.dma_semaphore, #tpu.memory_space<semaphore_mem>>
      tpu.enqueue_dma source(%arg3 : memref<10000xf32, #tpu.memory_space<hbm>>) target(%arg10 : memref<10000xf32, #tpu.memory_space<vmem>>) target_semaphore(%run_scoped3A : memref<!tpu.dma_semaphore, #tpu.memory_space<semaphore_mem>>)
      tpu.wait_dma2 semaphore(%run_scoped3A : memref<!tpu.dma_semaphore, #tpu.memory_space<semaphore_mem>>) src(%arg3 : memref<10000xf32, #tpu.memory_space<hbm>>) dst(%arg10 : memref<10000xf32, #tpu.memory_space<vmem>>)
      tpu.yield
    }) : () -> ()
    "tpu.region"() ({
      %run_scoped3A = tpu.sem_alloc : memref<!tpu.dma_semaphore, #tpu.memory_space<semaphore_mem>>
      tpu.enqueue_dma source(%arg6 : memref<16xf32, #tpu.memory_space<hbm>>) target(%arg14 : memref<16xf32, #tpu.memory_space<vmem>>) target_semaphore(%run_scoped3A : memref<!tpu.dma_semaphore, #tpu.memory_space<semaphore_mem>>)
      tpu.wait_dma2 semaphore(%run_scoped3A : memref<!tpu.dma_semaphore, #tpu.memory_space<semaphore_mem>>) src(%arg6 : memref<16xf32, #tpu.memory_space<hbm>>) dst(%arg14 : memref<16xf32, #tpu.memory_space<vmem>>)
      tpu.yield
    }) : () -> ()
    "tpu.region"() ({
      %run_scoped3A = tpu.sem_alloc : memref<!tpu.dma_semaphore, #tpu.memory_space<semaphore_mem>>
      %dma_start3A = arith.constant 0 : i32
      %dma_start3A_9 = tpu.memref_slice %arg4[%add3A, %dma_start3A] : memref<32x10000xi32, #tpu.memory_space<hbm>> -> memref<1x10000xi32, #tpu.memory_space<hbm>>
      %dma_start3A_10 = tpu.memref_squeeze %dma_start3A_9 : memref<1x10000xi32, #tpu.memory_space<hbm>> -> memref<10000xi32, #tpu.memory_space<hbm>>
      %dma_start3A_11 = arith.constant 0 : i32
      %dma_start3A_12 = tpu.memref_slice %arg4[%add3A, %dma_start3A_11] : memref<32x10000xi32, #tpu.memory_space<hbm>> -> memref<1x10000xi32, #tpu.memory_space<hbm>>
      %dma_start3A_13 = tpu.memref_squeeze %dma_start3A_12 : memref<1x10000xi32, #tpu.memory_space<hbm>> -> memref<10000xi32, #tpu.memory_space<hbm>>
      tpu.enqueue_dma source(%dma_start3A_13 : memref<10000xi32, #tpu.memory_space<hbm>>) target(%arg11 : memref<10000xi32, #tpu.memory_space<vmem>>) target_semaphore(%run_scoped3A : memref<!tpu.dma_semaphore, #tpu.memory_space<semaphore_mem>>)
      %dma_wait3A = arith.constant 0 : i32
      %dma_wait3A_14 = tpu.memref_slice %arg4[%add3A, %dma_wait3A] : memref<32x10000xi32, #tpu.memory_space<hbm>> -> memref<1x10000xi32, #tpu.memory_space<hbm>>
      %dma_wait3A_15 = tpu.memref_squeeze %dma_wait3A_14 : memref<1x10000xi32, #tpu.memory_space<hbm>> -> memref<10000xi32, #tpu.memory_space<hbm>>
      %dma_wait3A_16 = arith.constant 0 : i32
      %dma_wait3A_17 = tpu.memref_slice %arg4[%add3A, %dma_wait3A_16] : memref<32x10000xi32, #tpu.memory_space<hbm>> -> memref<1x10000xi32, #tpu.memory_space<hbm>>
      %dma_wait3A_18 = tpu.memref_squeeze %dma_wait3A_17 : memref<1x10000xi32, #tpu.memory_space<hbm>> -> memref<10000xi32, #tpu.memory_space<hbm>>
      tpu.wait_dma2 semaphore(%run_scoped3A : memref<!tpu.dma_semaphore, #tpu.memory_space<semaphore_mem>>) src(%dma_wait3A_18 : memref<10000xi32, #tpu.memory_space<hbm>>) dst(%arg11 : memref<10000xi32, #tpu.memory_space<vmem>>)
      tpu.yield
    }) : () -> ()
    "tpu.region"() ({
      %run_scoped3A = tpu.sem_alloc : memref<!tpu.dma_semaphore, #tpu.memory_space<semaphore_mem>>
      %dma_start3A = arith.constant 0 : i32
      %dma_start3A_9 = tpu.memref_slice %arg5[%add3A, %dma_start3A] : memref<32x10000xi32, #tpu.memory_space<hbm>> -> memref<1x10000xi32, #tpu.memory_space<hbm>>
      %dma_start3A_10 = tpu.memref_squeeze %dma_start3A_9 : memref<1x10000xi32, #tpu.memory_space<hbm>> -> memref<10000xi32, #tpu.memory_space<hbm>>
      %dma_start3A_11 = arith.constant 0 : i32
      %dma_start3A_12 = tpu.memref_slice %arg5[%add3A, %dma_start3A_11] : memref<32x10000xi32, #tpu.memory_space<hbm>> -> memref<1x10000xi32, #tpu.memory_space<hbm>>
      %dma_start3A_13 = tpu.memref_squeeze %dma_start3A_12 : memref<1x10000xi32, #tpu.memory_space<hbm>> -> memref<10000xi32, #tpu.memory_space<hbm>>
      tpu.enqueue_dma source(%dma_start3A_13 : memref<10000xi32, #tpu.memory_space<hbm>>) target(%arg12 : memref<10000xi32, #tpu.memory_space<vmem>>) target_semaphore(%run_scoped3A : memref<!tpu.dma_semaphore, #tpu.memory_space<semaphore_mem>>)
      %dma_wait3A = arith.constant 0 : i32
      %dma_wait3A_14 = tpu.memref_slice %arg5[%add3A, %dma_wait3A] : memref<32x10000xi32, #tpu.memory_space<hbm>> -> memref<1x10000xi32, #tpu.memory_space<hbm>>
      %dma_wait3A_15 = tpu.memref_squeeze %dma_wait3A_14 : memref<1x10000xi32, #tpu.memory_space<hbm>> -> memref<10000xi32, #tpu.memory_space<hbm>>
      %dma_wait3A_16 = arith.constant 0 : i32
      %dma_wait3A_17 = tpu.memref_slice %arg5[%add3A, %dma_wait3A_16] : memref<32x10000xi32, #tpu.memory_space<hbm>> -> memref<1x10000xi32, #tpu.memory_space<hbm>>
      %dma_wait3A_18 = tpu.memref_squeeze %dma_wait3A_17 : memref<1x10000xi32, #tpu.memory_space<hbm>> -> memref<10000xi32, #tpu.memory_space<hbm>>
      tpu.wait_dma2 semaphore(%run_scoped3A : memref<!tpu.dma_semaphore, #tpu.memory_space<semaphore_mem>>) src(%dma_wait3A_18 : memref<10000xi32, #tpu.memory_space<hbm>>) dst(%arg12 : memref<10000xi32, #tpu.memory_space<vmem>>)
      tpu.yield
    }) : () -> ()
    %get3A = arith.constant 0 : index
    %get3A_1 = tpu.vector_load %arg14[%get3A] {strides = array<i32>} : memref<16xf32, #tpu.memory_space<vmem>>, vector<16xf32>,
    %broadcast_in_dim3A = arith.constant 0.000000e+00 : f32
    %broadcast_in_dim3A_2 = vector.broadcast %broadcast_in_dim3A : f32 to vector<16xf32>
    %scan3A = arith.constant 0 : i32
    %scan3A_3 = arith.constant 625 : i32
    %scan3A_4 = arith.addi %scan3A, %scan3A_3 : i32
    %scan3A_5 = arith.constant 1 : i32
    %scan3A_6 = scf.for %scan3A_9 = %scan3A to %scan3A_4 step %scan3A_5 iter_args(%scan3A_10 = %broadcast_in_dim3A_2) -> (vector<16xf32>)  : i32 {
      %mul3A_11 = arith.constant 16 : i32
      %mul3A_12 = arith.muli %scan3A_9, %mul3A_11 : i32
      %get3A_13 = arith.index_cast %mul3A_12 : i32 to index
      %get3A_14 = tpu.vector_load %arg11[%get3A_13] {strides = array<i32>} : memref<10000xi32, #tpu.memory_space<vmem>>, vector<16xi32>,
      %mul3A_15 = arith.constant 16 : i32
      %mul3A_16 = arith.muli %scan3A_9, %mul3A_15 : i32
      %get3A_17 = arith.index_cast %mul3A_16 : i32 to index
      %get3A_18 = tpu.vector_load %arg12[%get3A_17] {strides = array<i32>} : memref<10000xi32, #tpu.memory_space<vmem>>, vector<16xi32>,
      %gather3A = tpu.vector_load_idx %arg9[%get3A_14] : memref<10000xf32, #tpu.memory_space<vmem>>[vector<16xi32>], vector<16xf32>,
      %gather3A_19 = tpu.vector_load_idx %arg10[%get3A_18] : memref<10000xf32, #tpu.memory_space<vmem>>[vector<16xi32>], vector<16xf32>,
      %add3A_20 = arith.addf %gather3A, %gather3A_19 : vector<16xf32>
      %sub3A = arith.subf %add3A_20, %get3A_1 : vector<16xf32>
      %exp3A = math.exp %sub3A : vector<16xf32>
      %mul3A_21 = arith.constant 16 : i32
      %mul3A_22 = arith.muli %scan3A_9, %mul3A_21 : i32
      %swap3A_23 = arith.index_cast %mul3A_22 : i32 to index
      %swap3A_24 = tpu.vector_load %arg13[%swap3A_23] {strides = array<i32>} : memref<10000xf32, #tpu.memory_space<vmem>>, vector<16xf32>,
      tpu.vector_store %arg13[%swap3A_23], %exp3A {strides = array<i32>} : memref<10000xf32, #tpu.memory_space<vmem>>, vector<16xf32>,
      %add3A_25 = arith.addf %scan3A_10, %exp3A : vector<16xf32>
      scf.yield %add3A_25 : vector<16xf32>
    }
    %scan3A_7 = arith.constant 625 : i32
    %swap3A = arith.constant 0 : index
    %swap3A_8 = tpu.vector_load %arg14[%swap3A] {strides = array<i32>} : memref<16xf32, #tpu.memory_space<vmem>>, vector<16xf32>,
    tpu.vector_store %arg14[%swap3A], %scan3A_6 {strides = array<i32>} : memref<16xf32, #tpu.memory_space<vmem>>, vector<16xf32>,
    "tpu.region"() ({
      %run_scoped3A = tpu.sem_alloc : memref<!tpu.dma_semaphore, #tpu.memory_space<semaphore_mem>>
      %dma_start3A = arith.constant 0 : i32
      %dma_start3A_9 = tpu.memref_slice %arg7[%add3A, %dma_start3A] : memref<32x10000xf32, #tpu.memory_space<hbm>> -> memref<1x10000xf32, #tpu.memory_space<hbm>>
      %dma_start3A_10 = tpu.memref_squeeze %dma_start3A_9 : memref<1x10000xf32, #tpu.memory_space<hbm>> -> memref<10000xf32, #tpu.memory_space<hbm>>
      %dma_start3A_11 = arith.constant 0 : i32
      %dma_start3A_12 = tpu.memref_slice %arg7[%add3A, %dma_start3A_11] : memref<32x10000xf32, #tpu.memory_space<hbm>> -> memref<1x10000xf32, #tpu.memory_space<hbm>>
      %dma_start3A_13 = tpu.memref_squeeze %dma_start3A_12 : memref<1x10000xf32, #tpu.memory_space<hbm>> -> memref<10000xf32, #tpu.memory_space<hbm>>
      tpu.enqueue_dma source(%arg13 : memref<10000xf32, #tpu.memory_space<vmem>>) target(%dma_start3A_13 : memref<10000xf32, #tpu.memory_space<hbm>>) target_semaphore(%run_scoped3A : memref<!tpu.dma_semaphore, #tpu.memory_space<semaphore_mem>>)
      %dma_wait3A = arith.constant 0 : i32
      %dma_wait3A_14 = tpu.memref_slice %arg7[%add3A, %dma_wait3A] : memref<32x10000xf32, #tpu.memory_space<hbm>> -> memref<1x10000xf32, #tpu.memory_space<hbm>>
      %dma_wait3A_15 = tpu.memref_squeeze %dma_wait3A_14 : memref<1x10000xf32, #tpu.memory_space<hbm>> -> memref<10000xf32, #tpu.memory_space<hbm>>
      %dma_wait3A_16 = arith.constant 0 : i32
      %dma_wait3A_17 = tpu.memref_slice %arg7[%add3A, %dma_wait3A_16] : memref<32x10000xf32, #tpu.memory_space<hbm>> -> memref<1x10000xf32, #tpu.memory_space<hbm>>
      %dma_wait3A_18 = tpu.memref_squeeze %dma_wait3A_17 : memref<1x10000xf32, #tpu.memory_space<hbm>> -> memref<10000xf32, #tpu.memory_space<hbm>>
      tpu.wait_dma2 semaphore(%run_scoped3A : memref<!tpu.dma_semaphore, #tpu.memory_space<semaphore_mem>>) src(%arg13 : memref<10000xf32, #tpu.memory_space<vmem>>) dst(%dma_wait3A_18 : memref<10000xf32, #tpu.memory_space<hbm>>)
      tpu.yield
    }) : () -> ()
    "tpu.region"() ({
      %run_scoped3A = tpu.sem_alloc : memref<!tpu.dma_semaphore, #tpu.memory_space<semaphore_mem>>
      %dma_start3A = arith.constant 0 : i32
      %dma_start3A_9 = tpu.memref_slice %arg8[%add3A, %dma_start3A] : memref<32x16xf32, #tpu.memory_space<hbm>> -> memref<1x16xf32, #tpu.memory_space<hbm>>
      %dma_start3A_10 = tpu.memref_squeeze %dma_start3A_9 : memref<1x16xf32, #tpu.memory_space<hbm>> -> memref<16xf32, #tpu.memory_space<hbm>>
      %dma_start3A_11 = arith.constant 0 : i32
      %dma_start3A_12 = tpu.memref_slice %arg8[%add3A, %dma_start3A_11] : memref<32x16xf32, #tpu.memory_space<hbm>> -> memref<1x16xf32, #tpu.memory_space<hbm>>
      %dma_start3A_13 = tpu.memref_squeeze %dma_start3A_12 : memref<1x16xf32, #tpu.memory_space<hbm>> -> memref<16xf32, #tpu.memory_space<hbm>>
      tpu.enqueue_dma source(%arg14 : memref<16xf32, #tpu.memory_space<vmem>>) target(%dma_start3A_13 : memref<16xf32, #tpu.memory_space<hbm>>) target_semaphore(%run_scoped3A : memref<!tpu.dma_semaphore, #tpu.memory_space<semaphore_mem>>)
      %dma_wait3A = arith.constant 0 : i32
      %dma_wait3A_14 = tpu.memref_slice %arg8[%add3A, %dma_wait3A] : memref<32x16xf32, #tpu.memory_space<hbm>> -> memref<1x16xf32, #tpu.memory_space<hbm>>
      %dma_wait3A_15 = tpu.memref_squeeze %dma_wait3A_14 : memref<1x16xf32, #tpu.memory_space<hbm>> -> memref<16xf32, #tpu.memory_space<hbm>>
      %dma_wait3A_16 = arith.constant 0 : i32
      %dma_wait3A_17 = tpu.memref_slice %arg8[%add3A, %dma_wait3A_16] : memref<32x16xf32, #tpu.memory_space<hbm>> -> memref<1x16xf32, #tpu.memory_space<hbm>>
      %dma_wait3A_18 = tpu.memref_squeeze %dma_wait3A_17 : memref<1x16xf32, #tpu.memory_space<hbm>> -> memref<16xf32, #tpu.memory_space<hbm>>
      tpu.wait_dma2 semaphore(%run_scoped3A : memref<!tpu.dma_semaphore, #tpu.memory_space<semaphore_mem>>) src(%arg14 : memref<16xf32, #tpu.memory_space<vmem>>) dst(%dma_wait3A_18 : memref<16xf32, #tpu.memory_space<hbm>>)
      tpu.yield
    }) : () -> ()
    return
  }
}

module attributes {stable_mosaic.version = 14 : i64} {
  func.func @_sne_body(%arg0: i32, %arg1: memref<1000x128xf32, #tpu.memory_space<vmem>>, %arg2: memref<1x1x1000xi32, #tpu.memory_space<vmem>>, %arg3: memref<16x128xf32, #tpu.memory_space<vmem>>, %arg4: memref<1000x128xf32, #tpu.memory_space<vmem>>) attributes {dimension_semantics = [#tpu.dimension_semantics<arbitrary>], iteration_bounds = array<i64: 10>, scalar_prefetch = 0 : i64, scratch_operands = 0 : i64, tpu.core_type = #tpu.core_type<tc>, window_params = [{transform_indices = @transform_0, window_bounds = array<i64: 1000, 128>}, {transform_indices = @transform_1, window_bounds = array<i64: 1, 1, 1000>}, {pipeline_mode = #tpu.pipeline_mode<synchronous>, transform_indices = @transform_2, window_bounds = array<i64: 16, 128>}, {transform_indices = @transform_3, window_bounds = array<i64: 1000, 128>}]} {
    %get3A = arith.constant 0 : index
    %get3A_0 = arith.constant 0 : index
    %get3A_1 = arith.constant 0 : index
    %get3A_2 = vector.load %arg2[%get3A, %get3A_0, %get3A_1] : memref<1x1x1000xi32, #tpu.memory_space<vmem>>, vector<1x1x1000xi32>
    %get3A_3 = vector.shape_cast %get3A_2 : vector<1x1x1000xi32> to vector<1000xi32>
    %broadcast_in_dim3A = vector.shape_cast %get3A_3 : vector<1000xi32> to vector<1000x1xi32>
    %iota3A = tpu.iota {dimensions = array<i32: 1>} : vector<1000x16xi32>
    %eq3A = vector.broadcast %broadcast_in_dim3A : vector<1000x1xi32> to vector<1000x16xi32>
    %eq3A_4 = arith.cmpi eq, %eq3A, %iota3A : vector<1000x16xi32>
    %convert_element_type3A = arith.extui %eq3A_4 : vector<1000x16xi1> to vector<1000x16xi32>
    %convert_element_type3A_5 = arith.sitofp %convert_element_type3A : vector<1000x16xi32> to vector<1000x16xf32>
    %get3A_6 = arith.constant 0 : index
    %get3A_7 = arith.constant 0 : index
    %get3A_8 = vector.load %arg3[%get3A_6, %get3A_7] : memref<16x128xf32, #tpu.memory_space<vmem>>, vector<16x128xf32>
    %dot_general3A = arith.constant dense<0.000000e+00> : vector<1000x128xf32>
    %dot_general3A_9 = tpu.matmul %convert_element_type3A_5, %get3A_8, %dot_general3A {dimension_numbers = #tpu.dot_dimension_numbers<[1], [0], [0], [1], [0, 0, 1, 1], [], []>, transpose_lhs_hint = false} : vector<1000x16xf32>, vector<16x128xf32>, vector<1000x128xf32> -> vector<1000x128xf32>
    %get3A_10 = arith.constant 0 : index
    %get3A_11 = arith.constant 0 : index
    %get3A_12 = vector.load %arg1[%get3A_10, %get3A_11] : memref<1000x128xf32, #tpu.memory_space<vmem>>, vector<1000x128xf32>
    %add3A = arith.addf %get3A_12, %dot_general3A_9 : vector<1000x128xf32>
    %swap3A = arith.constant 0 : index
    %swap3A_13 = arith.constant 0 : index
    %swap3A_14 = vector.load %arg4[%swap3A, %swap3A_13] : memref<1000x128xf32, #tpu.memory_space<vmem>>, vector<1000x128xf32>
    tpu.vector_store %arg4[%swap3A, %swap3A_13], %add3A {strides = array<i32>} : memref<1000x128xf32, #tpu.memory_space<vmem>>, vector<1000x128xf32>,
    return
  }
  func.func @transform_0(%arg0: i32) -> (i32, i32) {
    %c0_i32 = arith.constant 0 : i32
    %c0_i32_0 = arith.constant 0 : i32
    return %arg0, %c0_i32 : i32, i32
  }
  func.func @transform_1(%arg0: i32) -> (i32, i32, i32) {
    %c0_i32 = arith.constant 0 : i32
    %c0_i32_0 = arith.constant 0 : i32
    %c0_i32_1 = arith.constant 0 : i32
    return %arg0, %c0_i32, %c0_i32_0 : i32, i32, i32
  }
  func.func @transform_2(%arg0: i32) -> (i32, i32) {
    %c0_i32 = arith.constant 0 : i32
    %c0_i32_0 = arith.constant 0 : i32
    %c0_i32_1 = arith.constant 0 : i32
    return %c0_i32, %c0_i32_0 : i32, i32
  }
  func.func @transform_3(%arg0: i32) -> (i32, i32) {
    %c0_i32 = arith.constant 0 : i32
    %c0_i32_0 = arith.constant 0 : i32
    return %arg0, %c0_i32 : i32, i32
  }
}

module attributes {stable_mosaic.version = 14 : i64} {
  func.func @_combine_body(%arg0: i32, %arg1: memref<1000x128xf32, #tpu.memory_space<vmem>>, %arg2: memref<1000x128xf32, #tpu.memory_space<vmem>>, %arg3: memref<1000x16xf32, #tpu.memory_space<vmem>>, %arg4: memref<16x128xf32, #tpu.memory_space<vmem>>, %arg5: memref<128x128xf32, #tpu.memory_space<vmem>>, %arg6: memref<128x128xf32, #tpu.memory_space<vmem>>, %arg7: memref<1x128xf32, #tpu.memory_space<vmem>>, %arg8: memref<1x128xf32, #tpu.memory_space<vmem>>, %arg9: memref<128x1xf32, #tpu.memory_space<vmem>>, %arg10: memref<128x1xf32, #tpu.memory_space<vmem>>, %arg11: memref<1x1xf32, #tpu.memory_space<vmem>>, %arg12: memref<1000x1xf32, #tpu.memory_space<vmem>>, %arg13: memref<1000x1xf32, #tpu.memory_space<vmem>>, %arg14: memref<1x128xf32, #tpu.memory_space<vmem>>, %arg15: memref<1x1xf32, #tpu.memory_space<vmem>>, %arg16: memref<1x1xf32, #tpu.memory_space<vmem>>) attributes {dimension_semantics = [#tpu.dimension_semantics<arbitrary>], iteration_bounds = array<i64: 10>, scalar_prefetch = 0 : i64, scratch_operands = 0 : i64, tpu.core_type = #tpu.core_type<tc>, window_params = [{transform_indices = @transform_0, window_bounds = array<i64: 1000, 128>}, {transform_indices = @transform_1, window_bounds = array<i64: 1000, 128>}, {transform_indices = @transform_2, window_bounds = array<i64: 1000, 16>}, {pipeline_mode = #tpu.pipeline_mode<synchronous>, transform_indices = @transform_3, window_bounds = array<i64: 16, 128>}, {pipeline_mode = #tpu.pipeline_mode<synchronous>, transform_indices = @transform_4, window_bounds = array<i64: 128, 128>}, {pipeline_mode = #tpu.pipeline_mode<synchronous>, transform_indices = @transform_5, window_bounds = array<i64: 128, 128>}, {pipeline_mode = #tpu.pipeline_mode<synchronous>, transform_indices = @transform_6, window_bounds = array<i64: 1, 128>}, {pipeline_mode = #tpu.pipeline_mode<synchronous>, transform_indices = @transform_7, window_bounds = array<i64: 1, 128>}, {pipeline_mode = #tpu.pipeline_mode<synchronous>, transform_indices = @transform_8, window_bounds = array<i64: 128, 1>}, {pipeline_mode = #tpu.pipeline_mode<synchronous>, transform_indices = @transform_9, window_bounds = array<i64: 128, 1>}, {pipeline_mode = #tpu.pipeline_mode<synchronous>, transform_indices = @transform_10, window_bounds = array<i64: 1, 1>}, {transform_indices = @transform_11, window_bounds = array<i64: 1000, 1>}, {transform_indices = @transform_12, window_bounds = array<i64: 1000, 1>}, {pipeline_mode = #tpu.pipeline_mode<synchronous>, transform_indices = @transform_13, window_bounds = array<i64: 1, 128>}, {pipeline_mode = #tpu.pipeline_mode<synchronous>, transform_indices = @transform_14, window_bounds = array<i64: 1, 1>}, {pipeline_mode = #tpu.pipeline_mode<synchronous>, transform_indices = @transform_15, window_bounds = array<i64: 1, 1>}]} {
    %get3A = arith.constant 0 : index
    %get3A_0 = arith.constant 0 : index
    %get3A_1 = vector.load %arg2[%get3A, %get3A_0] : memref<1000x128xf32, #tpu.memory_space<vmem>>, vector<1000x128xf32>
    %get3A_2 = arith.constant 0 : index
    %get3A_3 = arith.constant 0 : index
    %get3A_4 = vector.load %arg3[%get3A_2, %get3A_3] : memref<1000x16xf32, #tpu.memory_space<vmem>>, vector<1000x16xf32>
    %reduce_sum3A = arith.constant dense<0.000000e+00> : vector<1000xf32>
    %reduce_sum3A_5 = vector.multi_reduction <add>, %get3A_4, %reduce_sum3A [1] : vector<1000x16xf32> to vector<1000xf32>
    %broadcast_in_dim3A = vector.shape_cast %reduce_sum3A_5 : vector<1000xf32> to vector<1000x1xf32>
    %get3A_6 = arith.constant 0 : index
    %get3A_7 = arith.constant 0 : index
    %get3A_8 = vector.load %arg4[%get3A_6, %get3A_7] : memref<16x128xf32, #tpu.memory_space<vmem>>, vector<16x128xf32>
    %dot_general3A = arith.constant dense<0.000000e+00> : vector<1000x128xf32>
    %dot_general3A_9 = tpu.matmul %get3A_4, %get3A_8, %dot_general3A {dimension_numbers = #tpu.dot_dimension_numbers<[1], [0], [0], [1], [0, 0, 1, 1], [], []>, transpose_lhs_hint = false} : vector<1000x16xf32>, vector<16x128xf32>, vector<1000x128xf32> -> vector<1000x128xf32>
    %max3A = arith.constant 1.000000e+00 : f32
    %max3A_10 = vector.broadcast %max3A : f32 to vector<1000x1xf32>
    %max3A_11 = arith.maximumf %broadcast_in_dim3A, %max3A_10 : vector<1000x1xf32>
    %sub3A = arith.subf %get3A_1, %dot_general3A_9 : vector<1000x128xf32>
    %div3A = vector.broadcast %max3A_11 : vector<1000x1xf32> to vector<1000x128xf32>
    %div3A_12 = arith.divf %sub3A, %div3A : vector<1000x128xf32>
    %get3A_13 = arith.constant 0 : index
    %get3A_14 = arith.constant 0 : index
    %get3A_15 = vector.load %arg1[%get3A_13, %get3A_14] : memref<1000x128xf32, #tpu.memory_space<vmem>>, vector<1000x128xf32>
    %get3A_16 = arith.constant 0 : index
    %get3A_17 = arith.constant 0 : index
    %get3A_18 = vector.load %arg5[%get3A_16, %get3A_17] : memref<128x128xf32, #tpu.memory_space<vmem>>, vector<128x128xf32>
    %dot_general3A_19 = arith.constant dense<0.000000e+00> : vector<1000x128xf32>
    %dot_general3A_20 = tpu.matmul %get3A_15, %get3A_18, %dot_general3A_19 {dimension_numbers = #tpu.dot_dimension_numbers<[1], [0], [0], [1], [0, 0, 1, 1], [], []>, transpose_lhs_hint = false} : vector<1000x128xf32>, vector<128x128xf32>, vector<1000x128xf32> -> vector<1000x128xf32>
    %get3A_21 = arith.constant 0 : index
    %get3A_22 = arith.constant 0 : index
    %get3A_23 = vector.load %arg6[%get3A_21, %get3A_22] : memref<128x128xf32, #tpu.memory_space<vmem>>, vector<128x128xf32>
    %dot_general3A_24 = arith.constant dense<0.000000e+00> : vector<1000x128xf32>
    %dot_general3A_25 = tpu.matmul %div3A_12, %get3A_23, %dot_general3A_24 {dimension_numbers = #tpu.dot_dimension_numbers<[1], [0], [0], [1], [0, 0, 1, 1], [], []>, transpose_lhs_hint = false} : vector<1000x128xf32>, vector<128x128xf32>, vector<1000x128xf32> -> vector<1000x128xf32>
    %add3A = arith.addf %dot_general3A_20, %dot_general3A_25 : vector<1000x128xf32>
    %get3A_26 = arith.constant 0 : index
    %get3A_27 = arith.constant 0 : index
    %get3A_28 = vector.load %arg7[%get3A_26, %get3A_27] : memref<1x128xf32, #tpu.memory_space<vmem>>, vector<1x128xf32>
    %add3A_29 = vector.broadcast %get3A_28 : vector<1x128xf32> to vector<1000x128xf32>
    %add3A_30 = arith.addf %add3A, %add3A_29 : vector<1000x128xf32>
    %gt3A = arith.constant 0.000000e+00 : f32
    %gt3A_31 = vector.broadcast %gt3A : f32 to vector<1000x1xf32>
    %gt3A_32 = arith.cmpf ogt, %broadcast_in_dim3A, %gt3A_31 : vector<1000x1xf32>
    %jit3A = arith.constant 1.000000e+00 : f32
    %jit3A_33 = arith.constant 0.000000e+00 : f32
    %broadcast_in_dim3A_34 = vector.broadcast %jit3A : f32 to vector<1000x1xf32>
    %broadcast_in_dim3A_35 = vector.broadcast %jit3A_33 : f32 to vector<1000x1xf32>
    %select_n3A = arith.select %gt3A_32, %broadcast_in_dim3A_34, %broadcast_in_dim3A_35 : vector<1000x1xi1>, vector<1000x1xf32>
    %get3A_36 = arith.constant 0 : index
    %get3A_37 = arith.constant 0 : index
    %get3A_38 = vector.load %arg8[%get3A_36, %get3A_37] : memref<1x128xf32, #tpu.memory_space<vmem>>, vector<1x128xf32>
    %mul3A = vector.broadcast %select_n3A : vector<1000x1xf32> to vector<1000x128xf32>
    %mul3A_39 = vector.broadcast %get3A_38 : vector<1x128xf32> to vector<1000x128xf32>
    %mul3A_40 = arith.mulf %mul3A, %mul3A_39 : vector<1000x128xf32>
    %add3A_41 = arith.addf %add3A_30, %mul3A_40 : vector<1000x128xf32>
    %get3A_42 = arith.constant 0 : index
    %get3A_43 = arith.constant 0 : index
    %get3A_44 = vector.load %arg9[%get3A_42, %get3A_43] : memref<128x1xf32, #tpu.memory_space<vmem>>, vector<128x1xf32>
    %dot_general3A_45 = arith.constant dense<0.000000e+00> : vector<1000x1xf32>
    %dot_general3A_46 = tpu.matmul %add3A_41, %get3A_44, %dot_general3A_45 {dimension_numbers = #tpu.dot_dimension_numbers<[1], [0], [0], [1], [0, 0, 1, 1], [], []>, transpose_lhs_hint = false} : vector<1000x128xf32>, vector<128x1xf32>, vector<1000x1xf32> -> vector<1000x1xf32>
    %get3A_47 = arith.constant 0 : index
    %get3A_48 = arith.constant 0 : index
    %get3A_49 = vector.load %arg10[%get3A_47, %get3A_48] : memref<128x1xf32, #tpu.memory_space<vmem>>, vector<128x1xf32>
    %dot_general3A_50 = arith.constant dense<0.000000e+00> : vector<1000x1xf32>
    %dot_general3A_51 = tpu.matmul %add3A_41, %get3A_49, %dot_general3A_50 {dimension_numbers = #tpu.dot_dimension_numbers<[1], [0], [0], [1], [0, 0, 1, 1], [], []>, transpose_lhs_hint = false} : vector<1000x128xf32>, vector<128x1xf32>, vector<1000x1xf32> -> vector<1000x1xf32>
    %get3A_52 = arith.constant 0 : index
    %get3A_53 = arith.constant 0 : index
    %get3A_54 = vector.load %arg11[%get3A_52, %get3A_53] : memref<1x1xf32, #tpu.memory_space<vmem>>, vector<1x1xf32>
    %get3A_55 = vector.extract %get3A_54[0, 0] : f32 from vector<1x1xf32>
    %add3A_56 = vector.broadcast %get3A_55 : f32 to vector<1000x1xf32>
    %add3A_57 = arith.addf %dot_general3A_51, %add3A_56 : vector<1000x1xf32>
    %swap3A = arith.constant 0 : index
    %swap3A_58 = arith.constant 0 : index
    %swap3A_59 = vector.load %arg12[%swap3A, %swap3A_58] : memref<1000x1xf32, #tpu.memory_space<vmem>>, vector<1000x1xf32>
    tpu.vector_store %arg12[%swap3A, %swap3A_58], %dot_general3A_46 {strides = array<i32>} : memref<1000x1xf32, #tpu.memory_space<vmem>>, vector<1000x1xf32>,
    %swap3A_60 = arith.constant 0 : index
    %swap3A_61 = arith.constant 0 : index
    %swap3A_62 = vector.load %arg13[%swap3A_60, %swap3A_61] : memref<1000x1xf32, #tpu.memory_space<vmem>>, vector<1000x1xf32>
    tpu.vector_store %arg13[%swap3A_60, %swap3A_61], %add3A_57 {strides = array<i32>} : memref<1000x1xf32, #tpu.memory_space<vmem>>, vector<1000x1xf32>,
    %eq3A = arith.constant 0 : i32
    %eq3A_63 = arith.cmpi eq, %arg0, %eq3A : i32
    %convert_element_type3A = arith.extui %eq3A_63 : i1 to i32
    %cond3A = arith.constant 0 : i32
    %cond3A_64 = arith.cmpi ne, %convert_element_type3A, %cond3A : i32
    scf.if %cond3A_64 {
      %broadcast_in_dim3A_105 = arith.constant 0.000000e+00 : f32
      %broadcast_in_dim3A_106 = vector.broadcast %broadcast_in_dim3A_105 : f32 to vector<1x128xf32>
      %swap3A_107 = arith.constant 0 : index
      %swap3A_108 = arith.constant 0 : index
      %swap3A_109 = vector.load %arg14[%swap3A_107, %swap3A_108] : memref<1x128xf32, #tpu.memory_space<vmem>>, vector<1x128xf32>
      tpu.vector_store %arg14[%swap3A_107, %swap3A_108], %broadcast_in_dim3A_106 {strides = array<i32>} : memref<1x128xf32, #tpu.memory_space<vmem>>, vector<1x128xf32>,
      %broadcast_in_dim3A_110 = arith.constant 0xFF800000 : f32
      %broadcast_in_dim3A_111 = vector.broadcast %broadcast_in_dim3A_110 : f32 to vector<1x1xf32>
      %swap3A_112 = arith.constant 0 : index
      %swap3A_113 = arith.constant 0 : index
      %swap3A_114 = vector.load %arg15[%swap3A_112, %swap3A_113] : memref<1x1xf32, #tpu.memory_space<vmem>>, vector<1x1xf32>
      tpu.vector_store %arg15[%swap3A_112, %swap3A_113], %broadcast_in_dim3A_111 {strides = array<i32>} : memref<1x1xf32, #tpu.memory_space<vmem>>, vector<1x1xf32>,
      %broadcast_in_dim3A_115 = arith.constant 0xFF800000 : f32
      %broadcast_in_dim3A_116 = vector.broadcast %broadcast_in_dim3A_115 : f32 to vector<1x1xf32>
      %swap3A_117 = arith.constant 0 : index
      %swap3A_118 = arith.constant 0 : index
      %swap3A_119 = vector.load %arg16[%swap3A_117, %swap3A_118] : memref<1x1xf32, #tpu.memory_space<vmem>>, vector<1x1xf32>
      tpu.vector_store %arg16[%swap3A_117, %swap3A_118], %broadcast_in_dim3A_116 {strides = array<i32>} : memref<1x1xf32, #tpu.memory_space<vmem>>, vector<1x1xf32>,
    } else {
    }
    %get3A_65 = arith.constant 0 : index
    %get3A_66 = arith.constant 0 : index
    %get3A_67 = vector.load %arg14[%get3A_65, %get3A_66] : memref<1x128xf32, #tpu.memory_space<vmem>>, vector<1x128xf32>
    %reduce_sum3A_68 = arith.constant dense<0.000000e+00> : vector<128xf32>
    %reduce_sum3A_69 = vector.multi_reduction <add>, %add3A_41, %reduce_sum3A_68 [0] : vector<1000x128xf32> to vector<128xf32>
    %broadcast_in_dim3A_70 = vector.shape_cast %reduce_sum3A_69 : vector<128xf32> to vector<1x128xf32>
    %add3A_71 = arith.addf %get3A_67, %broadcast_in_dim3A_70 : vector<1x128xf32>
    %swap3A_72 = arith.constant 0 : index
    %swap3A_73 = arith.constant 0 : index
    %swap3A_74 = vector.load %arg14[%swap3A_72, %swap3A_73] : memref<1x128xf32, #tpu.memory_space<vmem>>, vector<1x128xf32>
    tpu.vector_store %arg14[%swap3A_72, %swap3A_73], %add3A_71 {strides = array<i32>} : memref<1x128xf32, #tpu.memory_space<vmem>>, vector<1x128xf32>,
    %get3A_75 = arith.constant 0 : index
    %get3A_76 = arith.constant 0 : index
    %get3A_77 = vector.load %arg15[%get3A_75, %get3A_76] : memref<1x1xf32, #tpu.memory_space<vmem>>, vector<1x1xf32>
    %reduce_max3A = vector.shape_cast %dot_general3A_46 : vector<1000x1xf32> to vector<1x1000x1xf32>
    %reduce_max3A_78 = arith.constant dense<0xFF800000> : vector<1xf32>
    %reduce_max3A_79 = vector.multi_reduction <maximumf>, %reduce_max3A, %reduce_max3A_78 [1, 2] : vector<1x1000x1xf32> to vector<1xf32>
    %reduce_max3A_80 = vector.shape_cast %reduce_max3A_79 : vector<1xf32> to vector<1x1x1xf32>
    %reduce_max3A_81 = vector.extract %reduce_max3A_80[0, 0, 0] : f32 from vector<1x1x1xf32>
    %max3A_82 = vector.broadcast %reduce_max3A_81 : f32 to vector<1x1xf32>
    %max3A_83 = arith.maximumf %get3A_77, %max3A_82 : vector<1x1xf32>
    %swap3A_84 = arith.constant 0 : index
    %swap3A_85 = arith.constant 0 : index
    %swap3A_86 = vector.load %arg15[%swap3A_84, %swap3A_85] : memref<1x1xf32, #tpu.memory_space<vmem>>, vector<1x1xf32>
    tpu.vector_store %arg15[%swap3A_84, %swap3A_85], %max3A_83 {strides = array<i32>} : memref<1x1xf32, #tpu.memory_space<vmem>>, vector<1x1xf32>,
    %get3A_87 = arith.constant 0 : index
    %get3A_88 = arith.constant 0 : index
    %get3A_89 = vector.load %arg16[%get3A_87, %get3A_88] : memref<1x1xf32, #tpu.memory_space<vmem>>, vector<1x1xf32>
    %reduce_max3A_90 = vector.shape_cast %add3A_57 : vector<1000x1xf32> to vector<1x1000x1xf32>
    %reduce_max3A_91 = arith.constant dense<0xFF800000> : vector<1xf32>
    %reduce_max3A_92 = vector.multi_reduction <maximumf>, %reduce_max3A_90, %reduce_max3A_91 [1, 2] : vector<1x1000x1xf32> to vector<1xf32>
    %reduce_max3A_93 = vector.shape_cast %reduce_max3A_92 : vector<1xf32> to vector<1x1x1xf32>
    %reduce_max3A_94 = vector.extract %reduce_max3A_93[0, 0, 0] : f32 from vector<1x1x1xf32>
    %max3A_95 = vector.broadcast %reduce_max3A_94 : f32 to vector<1x1xf32>
    %max3A_96 = arith.maximumf %get3A_89, %max3A_95 : vector<1x1xf32>
    %swap3A_97 = arith.constant 0 : index
    %swap3A_98 = arith.constant 0 : index
    %swap3A_99 = vector.load %arg16[%swap3A_97, %swap3A_98] : memref<1x1xf32, #tpu.memory_space<vmem>>, vector<1x1xf32>
    tpu.vector_store %arg16[%swap3A_97, %swap3A_98], %max3A_96 {strides = array<i32>} : memref<1x1xf32, #tpu.memory_space<vmem>>, vector<1x1xf32>,
    %eq3A_100 = arith.constant 9 : i32
    %eq3A_101 = arith.cmpi eq, %arg0, %eq3A_100 : i32
    %convert_element_type3A_102 = arith.extui %eq3A_101 : i1 to i32
    %cond3A_103 = arith.constant 0 : i32
    %cond3A_104 = arith.cmpi ne, %convert_element_type3A_102, %cond3A_103 : i32
    scf.if %cond3A_104 {
      %get3A_105 = arith.constant 0 : index
      %get3A_106 = arith.constant 0 : index
      %get3A_107 = vector.load %arg14[%get3A_105, %get3A_106] : memref<1x128xf32, #tpu.memory_space<vmem>>, vector<1x128xf32>
      %mul3A_108 = arith.constant 9.99999974E-5 : f32
      %mul3A_109 = vector.broadcast %mul3A_108 : f32 to vector<1x128xf32>
      %mul3A_110 = arith.mulf %get3A_107, %mul3A_109 : vector<1x128xf32>
      %swap3A_111 = arith.constant 0 : index
      %swap3A_112 = arith.constant 0 : index
      %swap3A_113 = vector.load %arg14[%swap3A_111, %swap3A_112] : memref<1x128xf32, #tpu.memory_space<vmem>>, vector<1x128xf32>
      tpu.vector_store %arg14[%swap3A_111, %swap3A_112], %mul3A_110 {strides = array<i32>} : memref<1x128xf32, #tpu.memory_space<vmem>>, vector<1x128xf32>,
    } else {
    }
    return
  }
  func.func @transform_0(%arg0: i32) -> (i32, i32) {
    %c0_i32 = arith.constant 0 : i32
    %c0_i32_0 = arith.constant 0 : i32
    return %arg0, %c0_i32 : i32, i32
  }
  func.func @transform_1(%arg0: i32) -> (i32, i32) {
    %c0_i32 = arith.constant 0 : i32
    %c0_i32_0 = arith.constant 0 : i32
    return %arg0, %c0_i32 : i32, i32
  }
  func.func @transform_2(%arg0: i32) -> (i32, i32) {
    %c0_i32 = arith.constant 0 : i32
    %c0_i32_0 = arith.constant 0 : i32
    return %arg0, %c0_i32 : i32, i32
  }
  func.func @transform_3(%arg0: i32) -> (i32, i32) {
    %c0_i32 = arith.constant 0 : i32
    %c0_i32_0 = arith.constant 0 : i32
    %c0_i32_1 = arith.constant 0 : i32
    return %c0_i32, %c0_i32_0 : i32, i32
  }
  func.func @transform_4(%arg0: i32) -> (i32, i32) {
    %c0_i32 = arith.constant 0 : i32
    %c0_i32_0 = arith.constant 0 : i32
    %c0_i32_1 = arith.constant 0 : i32
    return %c0_i32, %c0_i32_0 : i32, i32
  }
  func.func @transform_5(%arg0: i32) -> (i32, i32) {
    %c0_i32 = arith.constant 0 : i32
    %c0_i32_0 = arith.constant 0 : i32
    %c0_i32_1 = arith.constant 0 : i32
    return %c0_i32, %c0_i32_0 : i32, i32
  }
  func.func @transform_6(%arg0: i32) -> (i32, i32) {
    %c0_i32 = arith.constant 0 : i32
    %c0_i32_0 = arith.constant 0 : i32
    %c0_i32_1 = arith.constant 0 : i32
    return %c0_i32, %c0_i32_0 : i32, i32
  }
  func.func @transform_7(%arg0: i32) -> (i32, i32) {
    %c0_i32 = arith.constant 0 : i32
    %c0_i32_0 = arith.constant 0 : i32
    %c0_i32_1 = arith.constant 0 : i32
    return %c0_i32, %c0_i32_0 : i32, i32
  }
  func.func @transform_8(%arg0: i32) -> (i32, i32) {
    %c0_i32 = arith.constant 0 : i32
    %c0_i32_0 = arith.constant 0 : i32
    %c0_i32_1 = arith.constant 0 : i32
    return %c0_i32, %c0_i32_0 : i32, i32
  }
  func.func @transform_9(%arg0: i32) -> (i32, i32) {
    %c0_i32 = arith.constant 0 : i32
    %c0_i32_0 = arith.constant 0 : i32
    %c0_i32_1 = arith.constant 0 : i32
    return %c0_i32, %c0_i32_0 : i32, i32
  }
  func.func @transform_10(%arg0: i32) -> (i32, i32) {
    %c0_i32 = arith.constant 0 : i32
    %c0_i32_0 = arith.constant 0 : i32
    %c0_i32_1 = arith.constant 0 : i32
    return %c0_i32, %c0_i32_0 : i32, i32
  }
  func.func @transform_11(%arg0: i32) -> (i32, i32) {
    %c0_i32 = arith.constant 0 : i32
    %c0_i32_0 = arith.constant 0 : i32
    return %arg0, %c0_i32 : i32, i32
  }
  func.func @transform_12(%arg0: i32) -> (i32, i32) {
    %c0_i32 = arith.constant 0 : i32
    %c0_i32_0 = arith.constant 0 : i32
    return %arg0, %c0_i32 : i32, i32
  }
  func.func @transform_13(%arg0: i32) -> (i32, i32) {
    %c0_i32 = arith.constant 0 : i32
    %c0_i32_0 = arith.constant 0 : i32
    %c0_i32_1 = arith.constant 0 : i32
    return %c0_i32, %c0_i32_0 : i32, i32
  }
  func.func @transform_14(%arg0: i32) -> (i32, i32) {
    %c0_i32 = arith.constant 0 : i32
    %c0_i32_0 = arith.constant 0 : i32
    %c0_i32_1 = arith.constant 0 : i32
    return %c0_i32, %c0_i32_0 : i32, i32
  }
  func.func @transform_15(%arg0: i32) -> (i32, i32) {
    %c0_i32 = arith.constant 0 : i32
    %c0_i32_0 = arith.constant 0 : i32
    %c0_i32_1 = arith.constant 0 : i32
    return %c0_i32, %c0_i32_0 : i32, i32
  }
}

module attributes {stable_mosaic.version = 14 : i64} {
  func.func @_norm_body(%arg0: memref<2500x128xf32, #tpu.memory_space<vmem>>, %arg1: memref<32x16xf32, #tpu.memory_space<vmem>>, %arg2: memref<2500x128xf32, #tpu.memory_space<vmem>>) attributes {dimension_semantics = [], scalar_prefetch = 0 : i64, scratch_operands = 0 : i64, tpu.core_type = #tpu.core_type<tc>} {
    %get3A = arith.constant 0 : index
    %get3A_0 = arith.constant 0 : index
    %get3A_1 = vector.load %arg1[%get3A, %get3A_0] : memref<32x16xf32, #tpu.memory_space<vmem>>, vector<32x16xf32>
    %reduce_sum3A = vector.shape_cast %get3A_1 : vector<32x16xf32> to vector<1x32x16xf32>
    %reduce_sum3A_2 = arith.constant dense<0.000000e+00> : vector<1xf32>
    %reduce_sum3A_3 = vector.multi_reduction <add>, %reduce_sum3A, %reduce_sum3A_2 [1, 2] : vector<1x32x16xf32> to vector<1xf32>
    %reduce_sum3A_4 = vector.shape_cast %reduce_sum3A_3 : vector<1xf32> to vector<1x1x1xf32>
    %reduce_sum3A_5 = vector.extract %reduce_sum3A_4[0, 0, 0] : f32 from vector<1x1x1xf32>
    %get3A_6 = arith.constant 0 : index
    %get3A_7 = arith.constant 0 : index
    %get3A_8 = vector.load %arg0[%get3A_6, %get3A_7] : memref<2500x128xf32, #tpu.memory_space<vmem>>, vector<2500x128xf32>
    %div3A = arith.constant 1.000000e+00 : f32
    %div3A_9 = arith.divf %div3A, %reduce_sum3A_5 : f32
    %mul3A = vector.broadcast %div3A_9 : f32 to vector<2500x128xf32>
    %mul3A_10 = arith.mulf %get3A_8, %mul3A : vector<2500x128xf32>
    %swap3A = arith.constant 0 : index
    %swap3A_11 = arith.constant 0 : index
    %swap3A_12 = vector.load %arg2[%swap3A, %swap3A_11] : memref<2500x128xf32, #tpu.memory_space<vmem>>, vector<2500x128xf32>
    tpu.vector_store %arg2[%swap3A, %swap3A_11], %mul3A_10 {strides = array<i32>} : memref<2500x128xf32, #tpu.memory_space<vmem>>, vector<2500x128xf32>,
    return
  }
}

</mosaic_0001>

<sc_bundles>
// kernel: kernel.10.cloned.1.call-start
scs
__scs_entry_jumppad:
0x0: {  	(pc) =	sbr.rel $0x88, $3  }
0x1: {  	(tag) =	ssettag $0x0;
	lr =	simm.s32 $0x1  }
0x2: {  	[smem:$0x3F95] =	sst lr;
	_ =	strace $0xD0000000  }
0x3: {  	_ = 	snop  }
0x4: {  	_ = 	snop  }
0x5: {  	_ = 	snop  }
0x6: {  	_ = 	snop  }
0x7: {  	_ = 	snop  }
__scs_overlays_trampoline_lowered:
0x8: {  	[smem:$0x3FA4] =	sst s0  }
0x9: {  	[smem:$0x3FA5] =	sst s1  }
0xa: {  	[smem:$0x3FA6] =	sst s2  }
0xb: {  	[smem:$0x3FA7] =	sst s3  }
0xc: {  	[smem:$0x3FA8] =	sst s4  }
0xd: {  	[smem:$0x3FA9] =	sst s5  }
0xe: {  	[smem:$0x3FAA] =	sst s6  }
0xf: {  	[smem:$0x3FAB] =	sst s7  }
0x10: {  	[smem:$0x3FAC] =	sst s8  }
0x11: {  	[smem:$0x3FAD] =	sst s9;
	s0 =	simm.s32 @!p0 $0x0  }
0x12: {  	s1 =	sld [smem:$0x3F93];
	s0 =	simm.s32 @p0 $0x1  }
0x13: {  	[smem:$0x3FAE] =	sst s0;
	s0 =	simm.s32 @!p1 $0x0  }
0x14: {  	s2 =	sld [smem:$0x3F92];
	s0 =	simm.s32 @p1 $0x1  }
0x15: {  	[smem:$0x3FAF] =	sst s0;
	s0 =	simm.s32 @!p2 $0x0  }
0x16: {  	s3 =	sld [smem:$0x3FDB];
	s0 =	simm.s32 @p2 $0x1  }
0x17: {  	s4 =	simm.s32 $0x1BF5;
	[smem:$0x3FB1] =	sst s0  }
0x18: {  	s0 =	sld [smem:$0x3F94];
	_ =	swait.ge [sflag:s4], $0x0  }
0x19: {  	s7 =	sld [smem:$0x3F95]  }
0x1a: {  	s8 =	sadd.s32 $0xFFFFE003, lr  }
0x1b: {  	s9 =	sadd.s32 $0xFFFFFEF7, lr;
	s5 =	simm.s32 $0xFFFFFFFF;
	p2 =	slt.u32 s8, $0xFFFFF086  }
0x1c: {  	p1 =	slt.u32 s9, $0xF7A;
	s5 =	simm.s32 @!p2 $0x0  }
0x1d: {  	s5 =	simm.s32 @p1 $0x1;
	p0 =	seq.s32 s7, s2  }
0x1e: {  	s7 =	smul.u32 @!p0 $0xF7A, s2;
	p2 =	seq.s32 @!p0 s5, $0x0  }
0x1f: {  	s9 =	smul.u32 $0xF7A, s1;
	s8 =	simm.s32 @!p0 $0x1BF5;
	p2 =	por !p2, p0  }
0x20: {  	[sflag:s8] =	ssyncset.s32 @!p0 $0xFFFFF086;
	s6 =	sadd.s32 @!p0 s3, s7;
	s7 =	simm.s32 @!p0 $0x108  }
0x21: {  	s3 =	sadd.s32 s3, s9;
	s6 =	sadd.s32 @!p0 $0x88, s6;
	s7 =	simm.s32 @p2 $0x1082  }
0x22: {  	[simem:s7], [sflag:s8] =	dma.local @!p0 [hbm:s6], $0xF7A  }
0x23: {  	s9 =	sor.u32 $0xD0000000, s2;
	s6 =	simm.s32 $0x108;
	_ =	swait.ge @!p0 [sflag:s8], $0x0  }
0x24: {  	s3 =	sadd.s32 $0x88, s3;
	s6 =	simm.s32 @!p1 $0x1082;
	[sflag:s4] =	ssyncset.s32 $0xFFFFF086  }
0x25: {  	[simem:s6], [sflag:s4] =	dma.local [hbm:s3], $0xF7A  }
0x26: {  	[smem:$0x3F95] =	sst s1;
	(tag) =	ssettag s2;
	_ =	strace s9  }
0x27: {  	s1 =	sld [smem:$0x3FA5]  }
0x28: {  	s2 =	sld [smem:$0x3FA6]  }
0x29: {  	s4 =	sld [smem:$0x3FA8]  }
0x2a: {  	p0 =	seq.s32 s5, $0x0;
	s5 =	sld [smem:$0x3FA9]  }
0x2b: {  	s6 =	sld [smem:$0x3FAA]  }
0x2c: {  	s7 =	sld [smem:$0x3FAB]  }
0x2d: {  	s3 =	simm.s32 $0x108;
	s8 =	sld [smem:$0x3FAC]  }
0x2e: {  	s3 =	simm.s32 @!p0 $0x1082;
	s9 =	sld [smem:$0x3FAD]  }
0x2f: {  	lr =	sadd.s32 s0, s3;
	s0 =	sld [smem:$0x3FA4]  }
0x30: {  	s3 =	sld [smem:$0x3FA7]  }
0x31: {  	[smem:$0x3FB0] =	sst s10  }
0x32: {  	s10 =	sld [smem:$0x3FAE];
	_ =	sdelay $0x3  }
0x33: {  	p0 =	seq.s32 s10, $0x1;
	s10 =	sld [smem:$0x3FB0];
	_ =	sdelay $0x3  }
0x34: {  	[smem:$0x3FB0] =	sst s10  }
0x35: {  	s10 =	sld [smem:$0x3FAF];
	_ =	sdelay $0x3  }
0x36: {  	p1 =	seq.s32 s10, $0x1;
	s10 =	sld [smem:$0x3FB0];
	_ =	sdelay $0x3  }
0x37: {  	[smem:$0x3FB0] =	sst s10  }
0x38: {  	s10 =	sld [smem:$0x3FB1]  }
0x39: {  	_ = 	snop;
	(pc) =	sbr.ind lr, $3  }
0x3a: {  	_ = 	snop  }
0x3b: {  	_ = 	snop  }
0x3c: {  	p2 =	seq.s32 s10, $0x1;
	s10 =	sld [smem:$0x3FB0]  }
0x3d: {  	_ =	shalt  }
0x3e: {  	_ =	shalt  }
0x3f: {  	_ =	shalt  }
0x40: {  	_ =	shalt  }
0x41: {  	_ =	shalt  }
0x42: {  	_ =	shalt  }
0x43: {  	_ =	shalt  }
0x44: {  	_ =	shalt  }
0x45: {  	_ =	shalt  }
0x46: {  	_ =	shalt  }
0x47: {  	_ =	shalt  }
0x48: {  	_ =	shalt  }
0x49: {  	_ =	shalt  }
0x4a: {  	_ =	shalt  }
0x4b: {  	_ =	shalt  }
0x4c: {  	_ =	shalt  }
0x4d: {  	_ =	shalt  }
0x4e: {  	_ =	shalt  }
0x4f: {  	_ =	shalt  }
0x50: {  	_ =	shalt  }
0x51: {  	_ =	shalt  }
0x52: {  	_ =	shalt  }
0x53: {  	_ =	shalt  }
0x54: {  	_ =	shalt  }
0x55: {  	_ =	shalt  }
0x56: {  	_ =	shalt  }
0x57: {  	_ =	shalt  }
0x58: {  	_ =	shalt  }
0x59: {  	_ =	shalt  }
0x5a: {  	_ =	shalt  }
0x5b: {  	_ =	shalt  }
0x5c: {  	_ =	shalt  }
0x5d: {  	_ =	shalt  }
0x5e: {  	_ =	shalt  }
0x5f: {  	_ =	shalt  }
0x60: {  	_ =	shalt  }
0x61: {  	_ =	shalt  }
0x62: {  	_ =	shalt  }
0x63: {  	_ =	shalt  }
0x64: {  	_ =	shalt  }
0x65: {  	_ =	shalt  }
0x66: {  	_ =	shalt  }
0x67: {  	_ =	shalt  }
0x68: {  	_ =	shalt  }
0x69: {  	_ =	shalt  }
0x6a: {  	_ =	shalt  }
0x6b: {  	_ =	shalt  }
0x6c: {  	_ =	shalt  }
0x6d: {  	_ =	shalt  }
0x6e: {  	_ =	shalt  }
0x6f: {  	_ =	shalt  }
0x70: {  	_ =	shalt  }
0x71: {  	_ =	shalt  }
0x72: {  	_ =	shalt  }
0x73: {  	_ =	shalt  }
0x74: {  	_ =	shalt  }
0x75: {  	_ =	shalt  }
0x76: {  	_ =	shalt  }
0x77: {  	_ =	shalt  }
0x78: {  	_ =	shalt  }
0x79: {  	_ =	shalt  }
0x7a: {  	_ =	shalt  }
0x7b: {  	_ =	shalt  }
0x7c: {  	_ =	shalt  }
0x7d: {  	_ =	shalt  }
0x7e: {  	_ =	shalt  }
0x7f: {  	_ =	shalt  }
0x80: {  	_ =	shalt  }
0x81: {  	_ =	shalt  }
0x82: {  	_ =	shalt  }
0x83: {  	_ =	shalt  }
0x84: {  	_ =	shalt  }
0x85: {  	_ =	shalt  }
0x86: {  	_ =	shalt  }
0x87: {  	_ =	shalt  }
.Lfunc_end0:
.L_simem_size_0:
called_computation.1_lowered:
.L_overlay_start_0:
0x88: {  	s2 =	sld [smem:$0x3FD9]  }
0x89: {  	s3 =	sld [smem:$0x3FFE];
	_ =	sdelay $0x1  }
0x8a: {  	s1 =	srdreg.scid  }
0x8b: {  	s0 =	sand.u32 $0x1, s1  }
0x8c: {  	s14 =	sshll.u32 s0, $0xA;
	s2 =	sadd.s32 s3, s2  }
0x8d: {  	s2 =	sadd.s32 s2, s14  }
0x8e: {  	[smem:$0x3FBC] =	sst s2  }
0x8f: {  	_ = 	snop  }
0x90: {  	s2 =	sld [smem:$0x3FD0];
	_ =	sdelay $0x2  }
0x91: {  	s15 =	simm.s32 $0xA;
	s4 =	simm.s32 $0x10  }
0x92: {  	[smem:s4], [sflag:s15] =	dma.local [hbm:s2], $0x1  }
0x93: {  	_ =	swait.eq [sflag:s15], $0x1  }
0x94: {  	[sflag:s15] =	ssyncset.done $0x0  }
0x95: {  	[sflag:s15] =	ssyncadd.s32 $0xFFFFFFFF  }
0x96: {  	s16 =	sld [smem:$0x11];
	(tm) =	ssettm $0x1  }
0x97: {  	s17 =	sld [smem:$0x3FFB];
	_ =	sdelay $0x3  }
0x98: {  	_ =	strace s17  }
0x99: {  	s3 =	sld [smem:$0x3FFC];
	_ =	sdelay $0x3  }
0x9a: {  	_ =	strace s3  }
0x9b: {  	s3 =	sld [smem:$0x3FFD];
	_ =	sdelay $0x3  }
0x9c: {  	_ =	strace s3  }
0x9d: {  	_ =	strace $0x8FFFFFFF  }
0x9e: {  	s18 =	sld [smem:$0x3FDB];
	_ =	sdelay $0x1  }
0x9f: {  	s19 =	simm.s32 $_scs_section_size  }
0xa0: {  	s5 =	simm.s32 $_size__tile_overlayer_lowered;
	s6 =	simm.s32 $_tile_overlayer_lowered  }
0xa1: {  	s22 =	simm.s32 $0x1BFF;
	s21 =	sshll.u32 s6, $0x1;
	s3 =	sadd.s32 s19, s18  }
0xa2: {  	s7 =	simm.s32 $0x0;
	s20 =	sshll.u32 s5, $0x1;
	s5 =	sadd.s32 s21, s3  }
0xa3: {  	[timem:s7], [sflag:s22] =	dma.local [hbm:s5], s20  }
0xa4: {  	_ =	swait.ge [sflag:s22], s20  }
0xa5: {  	s4 =	ssub.s32 $0x0, s20;
	[sflag:s22] =	ssyncset.done $0x0  }
0xa6: {  	[sflag:s22] =	ssyncadd.s32 s4;
	_ =	sdelay $0x1  }
0xa7: {  	s23 =	simm.s32 $0x1B8B  }
0xa8: {  	_ =	swait.ge [sflag:s23], $0x1  }
0xa9: {  	[sflag:s23] =	ssyncset.done $0x0  }
0xaa: {  	s25 =	simm.s32 $0x1B8E;
	s24 =	sld [smem:$0x3FFE];
	[sflag:s23] =	ssyncadd.s32 $0xFFFFFFFF  }
0xab: {  	s26 =	simm.s32 $execute0_lowered;
	[smem:$0x3FD2] =	sst s25  }
0xac: {  	s5 =	sshll.u32 s26, $0x1;
	_ =	strace $0x80000049;
	[dreg:$0x1] =	wrdreg $0xFFFFFFFF  }
0xad: {  	s28 =	simm.s32 $_size_execute0_lowered;
	s3 =	sadd.s32 s3, s5;
	[dreg:$0x0] =	wrdreg $0x0  }
0xae: {  	s5 =	sshll.u32 s28, $0x1;
	[dreg:$0x2] =	wrdreg s3  }
0xaf: {  	[dreg:$0x3] =	wrdreg s5  }
0xb0: {  	[dreg:$0x4] =	wrdreg $0xC0  }
0xb1: {  	_ =	task [dreg:s7], $0x5FFFF  }
0xb2: {  	[dreg:$0x1] =	wrdreg $0xFFFFFFFF  }
0xb3: {  	[dreg:$0x0] =	wrdreg $0x60  }
0xb4: {  	[dreg:$0x2] =	wrdreg s16  }
0xb5: {  	[dreg:$0x3] =	wrdreg s24  }
0xb6: {  	[dreg:$0x4] =	wrdreg $0x9  }
0xb7: {  	_ =	task.clear_ibuf [dreg:s7], $0x5FFFF;
	_ =	strace $0x90000049  }
0xb8: {  	s29 =	simm.s32 $0x9;
	_ =	strace $0x8000004B  }
0xb9: {  	_ =	swait.ge [sflag:s29], $0x1  }
0xba: {  	[sflag:s29] =	ssyncadd.s32 $0xFFFFFFFF  }
0xbb: {  	_ =	strace $0x9000004B  }
0xbc: {  	_ =	sfence  }
0xbd: {  	s30 =	sld [smem:$0x0];
	_ =	sdelay $0x2  }
0xbe: {  	s31 =	sshll.u32 s1, $0xD;
	s1 =	sshrl.u32 s1, $0x2  }
0xbf: {  	s3 =	sand.u32 $0x4000, s31;
	s1 =	sadd.s32 s1, s30  }
0xc0: {  	s0 =	sor.u32 s3, s0;
	s1 =	sshll.u32 s1, $0x11  }
0xc1: {  	s0 =	sor.u32 s1, s0  }
0xc2: {  	s0 =	sadd.s32 $0x8F2B, s0  }
0xc3: {  	[sflag:s0] =	ssyncadd.remote.s32 $0x1  }
0xc4: {  	_ =	sfence.sel $0xFFFF  }
0xc5: {  	[dreg:$0x0] =	wrdreg $0xFFFFFFFF;
	(pc) =	sbr.abs _section_cstart, $3  }
0xc6: {  	[dreg:$0x1] =	wrdreg $0xFFFFFFFF  }
0xc7: {  	_ =	task.clear_ibuf [dreg:s7], $0x2FFFF;
	_ =	strace $0x9FFFFFFF  }
0xc8: {  	(tm) =	ssettm $0x7FFFFFFF  }
0xc9: {  	_ =	shalt  }
tec
execute0_lowered:
.L_overlay_start_1:
0x0: {  	(tag) =	ssettag $0x1  }
0x1: {  	s1 =	rddreg [dreg:$0x0]  }
0x2: {  	s6 =	rddreg [dreg:$0x1]  }
0x3: {  	s0 =	rddreg [dreg:$0x2];
	s3 =	simm.s32 $0x0;
	s4 =	srdreg.scid  }
0x4: {  	s2 =	stileid.u32;
	s12 =	simm.s32 $0x2780;
	s13 =	simm.s32 $0xC580  }
0x5: {  	s14 =	simm.s32 $0x80;
	s15 =	simm.s32 $0x400;
	s16 =	simm.s32 $0x4F00  }
0x6: {  	s17 =	simm.s32 $0x7680;
	s18 =	simm.s32 $0x9E00;
	s19 =	simm.s32 $0x0  }
0x7: {  	[smem:$0x7FF] =	sst s3;
	s7 =	sand.u32 $0x1, s4;
	s5 =	sshrl.u32 s2, $0x2  }
0x8: {  	s26 =	sshll.u32 s2, $0x8;
	s4 =	sadd.s32 $0x2800, s6;
	_ =	strace $0x8000004A  }
0x9: {  	s8 =	sshll.u32 s7, $0x7;
	s9 =	sand.u32 $0x300, s26;
	s10 =	smul.u32 $0x13C00, s5  }
0xa: {  	s28 =	sshll.u32 s5, $0xA;
	s7 =	ssub.s32 $0x2, s7;
	s8 =	sor.u32 s8, s9  }
0xb: {  	s5 =	sadd.s32 $0x2400, s6;
	s31 =	sshrl.u32 s7, $0x1;
	s10 =	sor.u32 s10, s8  }
0xc: {  	s8 =	sor.u32 s28, s8;
	s11 =	ssub.s32 s7, s31;
	s29 =	sshrl.u32 s10, $0x3  }
0xd: {  	s8 =	sshrl.u32 s8, $0x3;
	s10 =	smax.u32 s11, $0x1;
	s9 =	sadd.s32 s29, s6  }
0xe: {  	s11 =	simm.s32 $0x1;
	s30 =	sadd.s32 s8, s6;
	s6 =	sadd.s32 $0x70800, s9  }
0xf: {  	s7 =	sadd.s32 $0x7A600, s9;
	s8 =	sadd.s32 $0x2E00, s9;
	s9 =	sadd.s32 $0xCC00, s30  }
.LBB2_1:
0x10: {  	[tilespmem:s3], [sflag:$0x1] =	stream.linear.gather [hbm4b:s1+s3], $0x2780, $0x38;
	[tilespmem:$0xC600] =	vst v63  }
0x11: {  	_ =	swait.ge [sflag:s11], $0x2780  }
0x12: {  	[sflag:s11] =	ssyncset.done $0x0  }
0x13: {  	[sflag:s11] =	ssyncadd.s32 $0xFFFFD880  }
0x14: {  	[tilespmem:s12], [sflag:$0x1] =	stream.linear.gather [hbm4b:s4+s3], $0x2780, $0x38;
	[tilespmem:$0xC600] =	vst v63  }
0x15: {  	_ =	swait.ge [sflag:s11], $0x2780  }
0x16: {  	[sflag:s11] =	ssyncset.done $0x0  }
0x17: {  	[sflag:s11] =	ssyncadd.s32 $0xFFFFD880  }
0x18: {  	[tilespmem:s13], [sflag:$0x1] =	stream.linear.gather [hbm4b:s5+s3], $0x80, $0x38;
	[tilespmem:$0xC600] =	vst v63  }
0x19: {  	_ =	swait.ge [sflag:s11], $0x80  }
0x1a: {  	[sflag:s11] =	ssyncset.done $0x0  }
0x1b: {  	[sflag:s11] =	ssyncadd.s32 $0xFFFFFF80  }
0x1c: {  	[tilespmem:s16], [sflag:$0x1] =	stream.strided.gather [hbm4b:s6+s14], $0x2780, s15, s14, $0x38;
	[tilespmem:$0xC600] =	vst v63  }
0x1d: {  	_ =	swait.ge [sflag:s11], $0x2780  }
0x1e: {  	[sflag:s11] =	ssyncset.done $0x0  }
0x1f: {  	[sflag:s11] =	ssyncadd.s32 $0xFFFFD880  }
0x20: {  	[tilespmem:s17], [sflag:$0x1] =	stream.strided.gather [hbm4b:s7+s14], $0x2780, s15, s14, $0x38;
	[tilespmem:$0xC600] =	vst v63  }
0x21: {  	_ =	swait.ge [sflag:s11], $0x2780  }
0x22: {  	[sflag:s11] =	ssyncset.done $0x0  }
0x23: {  	s20 =	simm.s32 $0x0;
	[sflag:s11] =	ssyncadd.s32 $0xFFFFD880  }
0x24: {  	v0 =	vld [tilespmem:s20+$0x7680]  }
0x25: {  	v1 =	vld [tilespmem:s20+$0x4F00];
	_ =	sdelay $0x6  }
0x26: {  	v2 =	vld.idx.msk [tilespmem:v0+s12+$0x0], $0xffff  }
0x27: {  	v1 =	vld.idx.msk [tilespmem:v1+s3+$0x0], $0xffff;
	_ =	sdelay $0x1  }
0x28: {  	v0 =	vld [tilespmem:$0xC580];
	_ =	sdelay $0x2  }
0x29: {  	v1 =	vadd.f32 v2, v1;
	_ =	sdelay $0x1  }
0x2a: {  	v1 =	vsub.f32 v1, v0;
	_ =	sdelay $0x1  }
0x2b: {  	v2 =	vmul.f32 $1.442695020e+00, v1;
	_ =	sdelay $0x1  }
0x2c: {  	(erf) = vpow2.f32 v2;
	_ =	sdelay $0x1  }
0x2d: {  	s22 =	simm.s32 $0x10  }
0x2e: {  	s21 =	simm.s32 $0x80;
	v1 =	vimm.f32 $0.0e+00;
	v2 =	vld [tilespmem:s22+$0x7680]  }
.LBB2_2:
0x2f: {  	p0 =	sne.s32 s21, $0x9C00;
	v3 =	vld [tilespmem:s22+$0x4F00];
	_ =	sdelay $0x4  }
0x30: {  	v4 =	vpop (erf)  }
0x31: {  	[tilespmem:s20+$0x9E00] =	vst v4;
	v1 =	vadd.f32 v4, v1;
	s20 =	smov.u32 s22  }
0x32: {  	v2 =	vld.idx.msk [tilespmem:v2+s12+$0x0], $0xffff  }
0x33: {  	v3 =	vld.idx.msk [tilespmem:v3+s3+$0x0], $0xffff;
	_ =	sdelay $0x5  }
0x34: {  	v2 =	vadd.f32 v2, v3;
	_ =	sdelay $0x1  }
0x35: {  	v2 =	vsub.f32 v2, v0;
	_ =	sdelay $0x1  }
0x36: {  	v2 =	vmul.f32 $1.442695020e+00, v2  }
.Ltmp0:
0x37: {  	(pc) =	sbr.rel @p0 .LBB2_2-.Ltmp0, $3  }
0x38: {  	(erf) = vpow2.f32 v2;
	_ =	sdelay $0x1  }
0x39: {  	s22 =	sshra.s32 s21, $0x2  }
0x3a: {  	s21 =	sadd.s32 $0x40, s21;
	v2 =	vld [tilespmem:s22+$0x7680]  }
0x3b: {  	_ = 	snop  }
0x3c: {  	v3 =	vld [tilespmem:s22+$0x4F00];
	_ =	sdelay $0x4  }
0x3d: {  	v4 =	vpop (erf)  }
0x3e: {  	[tilespmem:s20+$0x9E00] =	vst v4  }
0x3f: {  	v2 =	vld.idx.msk [tilespmem:v2+s12+$0x0], $0xffff  }
0x40: {  	v3 =	vld.idx.msk [tilespmem:v3+s3+$0x0], $0xffff;
	_ =	sdelay $0x4  }
0x41: {  	v2 =	vadd.f32 v2, v3;
	_ =	sdelay $0x1  }
0x42: {  	v0 =	vsub.f32 v2, v0;
	_ =	sdelay $0x1  }
0x43: {  	v0 =	vmul.f32 $1.442695020e+00, v0;
	_ =	sdelay $0x1  }
0x44: {  	(erf) = vpow2.f32 v0;
	_ =	sdelay $0x7  }
0x45: {  	v62 =	vadd.f32 v4, v1  }
0x46: {  	v63 =	vpop (erf)  }
0x47: {  	v0 =	vadd.f32 v63, v62  }
0x48: {  	[tilespmem:s22+$0x9E00] =	vst v63  }
0x49: {  	[tilespmem:$0xC580] =	vst v0  }
0x4a: {  	[hbm4b:s8+s14] =	stream.strided.scatter [tilespmem:s18], [sflag:$0x1], $0x2780, s15, s14, $0x38;
	[tilespmem:$0xC600] =	vst v63  }
0x4b: {  	s19 =	sadd.s32 $0x1, s19;
	_ =	swait.ge [sflag:s11], $0x2780  }
0x4c: {  	p0 =	sne.s32 s19, s10;
	[sflag:s11] =	ssyncset.done $0x0  }
.Ltmp1:
0x4d: {  	[sflag:s11] =	ssyncadd.s32 $0xFFFFD880;
	(pc) =	sbr.rel @p0 .LBB2_1-.Ltmp1, $4  }
0x4e: {  	[hbm4b:s9+s3] =	stream.linear.scatter [tilespmem:s13], [sflag:$0x1], $0x80, $0x38;
	[tilespmem:$0xC600] =	vst v63  }
0x4f: {  	_ =	swait.ge [sflag:s11], $0x80  }
0x50: {  	[sflag:s11] =	ssyncset.done $0x0  }
0x51: {  	[sflag:s11] =	ssyncadd.s32 $0xFFFFFF80  }
0x52: {  	_ =	sfence.sel $0x180000  }
0x53: {  	[bflag:$0x0] =	sbarrier.arrive $0xFFFF  }
0x54: {  	p0 =	sne.s32 s2, $0x0;
	_ =	strace $0x9000004A  }
0x55: {  	s0 =	sadd.s32 @!p0 $0x100000, s0;
	[bflag:$0x2] =	sbarrier.arrive $0xFFFF  }
0x56: {  	[sflag:s0] =	ssyncadd.tile.s32 @!p0 $0x1;
	_ =	shalt  }
.Lfunc_end2:
_tile_overlayer_lowered:
.L_overlay_start_2:
0x57: {  	(tag) =	ssettag $0x2  }
0x58: {  	s0 =	rddreg [dreg:$0x0];
	s2 =	stileid.u32  }
0x59: {  	s1 =	rddreg [dreg:$0x1];
	p0 =	sne.s32 s2, $0x0  }
0x5a: {  	s3 =	rddreg [dreg:$0x2];
	[bflag:$0x3] =	sbarrier.arrive $0xFFFF;
	s2 =	simm.s32 @!p0 $0x1C01  }
0x5b: {  	[timem:s3], [sflag:s2] =	dma.local @!p0 [hbm:s0], s1  }
0x5c: {  	s0 =	simm.s32 @!p0 $0x1  }
0x5d: {  	_ =	swait.ge @!p0 [sflag:s0], s1  }
0x5e: {  	s1 =	ssub.s32 @!p0 $0x0, s1;
	[sflag:s0] =	ssyncset.done @!p0 $0x0  }
0x5f: {  	[sflag:s0] =	ssyncadd.s32 @!p0 s1  }
0x60: {  	[bflag:$0x3] =	sbarrier.arrive $0xFFFF  }
0x61: {  	_ =	shalt  }

// kernel: kernel.7.cloned.1.call-start
scs
__scs_entry_jumppad:
0x0: {  	(pc) =	sbr.rel $0x88, $3  }
0x1: {  	(tag) =	ssettag $0x0;
	lr =	simm.s32 $0x1  }
0x2: {  	[smem:$0x3F95] =	sst lr;
	_ =	strace $0xD0000000  }
0x3: {  	_ = 	snop  }
0x4: {  	_ = 	snop  }
0x5: {  	_ = 	snop  }
0x6: {  	_ = 	snop  }
0x7: {  	_ = 	snop  }
__scs_overlays_trampoline_lowered:
0x8: {  	[smem:$0x3FA4] =	sst s0  }
0x9: {  	[smem:$0x3FA5] =	sst s1  }
0xa: {  	[smem:$0x3FA6] =	sst s2  }
0xb: {  	[smem:$0x3FA7] =	sst s3  }
0xc: {  	[smem:$0x3FA8] =	sst s4  }
0xd: {  	[smem:$0x3FA9] =	sst s5  }
0xe: {  	[smem:$0x3FAA] =	sst s6  }
0xf: {  	[smem:$0x3FAB] =	sst s7  }
0x10: {  	[smem:$0x3FAC] =	sst s8  }
0x11: {  	[smem:$0x3FAD] =	sst s9;
	s0 =	simm.s32 @!p0 $0x0  }
0x12: {  	s1 =	sld [smem:$0x3F93];
	s0 =	simm.s32 @p0 $0x1  }
0x13: {  	[smem:$0x3FAE] =	sst s0;
	s0 =	simm.s32 @!p1 $0x0  }
0x14: {  	s2 =	sld [smem:$0x3F92];
	s0 =	simm.s32 @p1 $0x1  }
0x15: {  	[smem:$0x3FAF] =	sst s0;
	s0 =	simm.s32 @!p2 $0x0  }
0x16: {  	s3 =	sld [smem:$0x3FDB];
	s0 =	simm.s32 @p2 $0x1  }
0x17: {  	s4 =	simm.s32 $0x1BF5;
	[smem:$0x3FB1] =	sst s0  }
0x18: {  	s0 =	sld [smem:$0x3F94];
	_ =	swait.ge [sflag:s4], $0x0  }
0x19: {  	s7 =	sld [smem:$0x3F95]  }
0x1a: {  	s8 =	sadd.s32 $0xFFFFE003, lr  }
0x1b: {  	s9 =	sadd.s32 $0xFFFFFEF7, lr;
	s5 =	simm.s32 $0xFFFFFFFF;
	p2 =	slt.u32 s8, $0xFFFFF086  }
0x1c: {  	p1 =	slt.u32 s9, $0xF7A;
	s5 =	simm.s32 @!p2 $0x0  }
0x1d: {  	s5 =	simm.s32 @p1 $0x1;
	p0 =	seq.s32 s7, s2  }
0x1e: {  	s7 =	smul.u32 @!p0 $0xF7A, s2;
	p2 =	seq.s32 @!p0 s5, $0x0  }
0x1f: {  	s9 =	smul.u32 $0xF7A, s1;
	s8 =	simm.s32 @!p0 $0x1BF5;
	p2 =	por !p2, p0  }
0x20: {  	[sflag:s8] =	ssyncset.s32 @!p0 $0xFFFFF086;
	s6 =	sadd.s32 @!p0 s3, s7;
	s7 =	simm.s32 @!p0 $0x108  }
0x21: {  	s3 =	sadd.s32 s3, s9;
	s6 =	sadd.s32 @!p0 $0x88, s6;
	s7 =	simm.s32 @p2 $0x1082  }
0x22: {  	[simem:s7], [sflag:s8] =	dma.local @!p0 [hbm:s6], $0xF7A  }
0x23: {  	s9 =	sor.u32 $0xD0000000, s2;
	s6 =	simm.s32 $0x108;
	_ =	swait.ge @!p0 [sflag:s8], $0x0  }
0x24: {  	s3 =	sadd.s32 $0x88, s3;
	s6 =	simm.s32 @!p1 $0x1082;
	[sflag:s4] =	ssyncset.s32 $0xFFFFF086  }
0x25: {  	[simem:s6], [sflag:s4] =	dma.local [hbm:s3], $0xF7A  }
0x26: {  	[smem:$0x3F95] =	sst s1;
	(tag) =	ssettag s2;
	_ =	strace s9  }
0x27: {  	s1 =	sld [smem:$0x3FA5]  }
0x28: {  	s2 =	sld [smem:$0x3FA6]  }
0x29: {  	s4 =	sld [smem:$0x3FA8]  }
0x2a: {  	p0 =	seq.s32 s5, $0x0;
	s5 =	sld [smem:$0x3FA9]  }
0x2b: {  	s6 =	sld [smem:$0x3FAA]  }
0x2c: {  	s7 =	sld [smem:$0x3FAB]  }
0x2d: {  	s3 =	simm.s32 $0x108;
	s8 =	sld [smem:$0x3FAC]  }
0x2e: {  	s3 =	simm.s32 @!p0 $0x1082;
	s9 =	sld [smem:$0x3FAD]  }
0x2f: {  	lr =	sadd.s32 s0, s3;
	s0 =	sld [smem:$0x3FA4]  }
0x30: {  	s3 =	sld [smem:$0x3FA7]  }
0x31: {  	[smem:$0x3FB0] =	sst s10  }
0x32: {  	s10 =	sld [smem:$0x3FAE];
	_ =	sdelay $0x3  }
0x33: {  	p0 =	seq.s32 s10, $0x1;
	s10 =	sld [smem:$0x3FB0];
	_ =	sdelay $0x3  }
0x34: {  	[smem:$0x3FB0] =	sst s10  }
0x35: {  	s10 =	sld [smem:$0x3FAF];
	_ =	sdelay $0x3  }
0x36: {  	p1 =	seq.s32 s10, $0x1;
	s10 =	sld [smem:$0x3FB0];
	_ =	sdelay $0x3  }
0x37: {  	[smem:$0x3FB0] =	sst s10  }
0x38: {  	s10 =	sld [smem:$0x3FB1]  }
0x39: {  	_ = 	snop;
	(pc) =	sbr.ind lr, $3  }
0x3a: {  	_ = 	snop  }
0x3b: {  	_ = 	snop  }
0x3c: {  	p2 =	seq.s32 s10, $0x1;
	s10 =	sld [smem:$0x3FB0]  }
0x3d: {  	_ =	shalt  }
0x3e: {  	_ =	shalt  }
0x3f: {  	_ =	shalt  }
0x40: {  	_ =	shalt  }
0x41: {  	_ =	shalt  }
0x42: {  	_ =	shalt  }
0x43: {  	_ =	shalt  }
0x44: {  	_ =	shalt  }
0x45: {  	_ =	shalt  }
0x46: {  	_ =	shalt  }
0x47: {  	_ =	shalt  }
0x48: {  	_ =	shalt  }
0x49: {  	_ =	shalt  }
0x4a: {  	_ =	shalt  }
0x4b: {  	_ =	shalt  }
0x4c: {  	_ =	shalt  }
0x4d: {  	_ =	shalt  }
0x4e: {  	_ =	shalt  }
0x4f: {  	_ =	shalt  }
0x50: {  	_ =	shalt  }
0x51: {  	_ =	shalt  }
0x52: {  	_ =	shalt  }
0x53: {  	_ =	shalt  }
0x54: {  	_ =	shalt  }
0x55: {  	_ =	shalt  }
0x56: {  	_ =	shalt  }
0x57: {  	_ =	shalt  }
0x58: {  	_ =	shalt  }
0x59: {  	_ =	shalt  }
0x5a: {  	_ =	shalt  }
0x5b: {  	_ =	shalt  }
0x5c: {  	_ =	shalt  }
0x5d: {  	_ =	shalt  }
0x5e: {  	_ =	shalt  }
0x5f: {  	_ =	shalt  }
0x60: {  	_ =	shalt  }
0x61: {  	_ =	shalt  }
0x62: {  	_ =	shalt  }
0x63: {  	_ =	shalt  }
0x64: {  	_ =	shalt  }
0x65: {  	_ =	shalt  }
0x66: {  	_ =	shalt  }
0x67: {  	_ =	shalt  }
0x68: {  	_ =	shalt  }
0x69: {  	_ =	shalt  }
0x6a: {  	_ =	shalt  }
0x6b: {  	_ =	shalt  }
0x6c: {  	_ =	shalt  }
0x6d: {  	_ =	shalt  }
0x6e: {  	_ =	shalt  }
0x6f: {  	_ =	shalt  }
0x70: {  	_ =	shalt  }
0x71: {  	_ =	shalt  }
0x72: {  	_ =	shalt  }
0x73: {  	_ =	shalt  }
0x74: {  	_ =	shalt  }
0x75: {  	_ =	shalt  }
0x76: {  	_ =	shalt  }
0x77: {  	_ =	shalt  }
0x78: {  	_ =	shalt  }
0x79: {  	_ =	shalt  }
0x7a: {  	_ =	shalt  }
0x7b: {  	_ =	shalt  }
0x7c: {  	_ =	shalt  }
0x7d: {  	_ =	shalt  }
0x7e: {  	_ =	shalt  }
0x7f: {  	_ =	shalt  }
0x80: {  	_ =	shalt  }
0x81: {  	_ =	shalt  }
0x82: {  	_ =	shalt  }
0x83: {  	_ =	shalt  }
0x84: {  	_ =	shalt  }
0x85: {  	_ =	shalt  }
0x86: {  	_ =	shalt  }
0x87: {  	_ =	shalt  }
.Lfunc_end0:
.L_simem_size_0:
called_computation_lowered:
.L_overlay_start_0:
0x88: {  	s2 =	sld [smem:$0x3FD9]  }
0x89: {  	s3 =	sld [smem:$0x3FFE];
	_ =	sdelay $0x1  }
0x8a: {  	s1 =	srdreg.scid  }
0x8b: {  	s0 =	sand.u32 $0x1, s1  }
0x8c: {  	s14 =	sshll.u32 s0, $0xA;
	s2 =	sadd.s32 s3, s2  }
0x8d: {  	s2 =	sadd.s32 s2, s14  }
0x8e: {  	[smem:$0x3FBC] =	sst s2  }
0x8f: {  	_ = 	snop  }
0x90: {  	s2 =	sld [smem:$0x3FD0];
	_ =	sdelay $0x2  }
0x91: {  	s15 =	simm.s32 $0xA;
	s4 =	simm.s32 $0x10  }
0x92: {  	[smem:s4], [sflag:s15] =	dma.local [hbm:s2], $0x1  }
0x93: {  	_ =	swait.eq [sflag:s15], $0x1  }
0x94: {  	[sflag:s15] =	ssyncset.done $0x0  }
0x95: {  	[sflag:s15] =	ssyncadd.s32 $0xFFFFFFFF  }
0x96: {  	s16 =	sld [smem:$0x11];
	(tm) =	ssettm $0x1  }
0x97: {  	s17 =	sld [smem:$0x3FFB];
	_ =	sdelay $0x3  }
0x98: {  	_ =	strace s17  }
0x99: {  	s3 =	sld [smem:$0x3FFC];
	_ =	sdelay $0x3  }
0x9a: {  	_ =	strace s3  }
0x9b: {  	s3 =	sld [smem:$0x3FFD];
	_ =	sdelay $0x3  }
0x9c: {  	_ =	strace s3  }
0x9d: {  	_ =	strace $0x8FFFFFFF  }
0x9e: {  	s18 =	sld [smem:$0x3FDB];
	_ =	sdelay $0x1  }
0x9f: {  	s19 =	simm.s32 $_scs_section_size  }
0xa0: {  	s5 =	simm.s32 $_size__tile_overlayer_lowered;
	s6 =	simm.s32 $_tile_overlayer_lowered  }
0xa1: {  	s22 =	simm.s32 $0x1BFF;
	s21 =	sshll.u32 s6, $0x1;
	s3 =	sadd.s32 s19, s18  }
0xa2: {  	s7 =	simm.s32 $0x0;
	s20 =	sshll.u32 s5, $0x1;
	s5 =	sadd.s32 s21, s3  }
0xa3: {  	[timem:s7], [sflag:s22] =	dma.local [hbm:s5], s20  }
0xa4: {  	_ =	swait.ge [sflag:s22], s20  }
0xa5: {  	s4 =	ssub.s32 $0x0, s20;
	[sflag:s22] =	ssyncset.done $0x0  }
0xa6: {  	[sflag:s22] =	ssyncadd.s32 s4;
	_ =	sdelay $0x1  }
0xa7: {  	s23 =	simm.s32 $0x1B8B  }
0xa8: {  	_ =	swait.ge [sflag:s23], $0x1  }
0xa9: {  	[sflag:s23] =	ssyncset.done $0x0  }
0xaa: {  	s25 =	simm.s32 $0x1B8E;
	s24 =	sld [smem:$0x3FFE];
	[sflag:s23] =	ssyncadd.s32 $0xFFFFFFFF  }
0xab: {  	s26 =	simm.s32 $execute0_lowered;
	[smem:$0x3FD2] =	sst s25  }
0xac: {  	s5 =	sshll.u32 s26, $0x1;
	_ =	strace $0x80000046;
	[dreg:$0x1] =	wrdreg $0xFFFFFFFF  }
0xad: {  	s28 =	simm.s32 $_size_execute0_lowered;
	s3 =	sadd.s32 s3, s5;
	[dreg:$0x0] =	wrdreg $0x0  }
0xae: {  	s5 =	sshll.u32 s28, $0x1;
	[dreg:$0x2] =	wrdreg s3  }
0xaf: {  	[dreg:$0x3] =	wrdreg s5  }
0xb0: {  	[dreg:$0x4] =	wrdreg $0xC0  }
0xb1: {  	_ =	task [dreg:s7], $0x5FFFF  }
0xb2: {  	[dreg:$0x1] =	wrdreg $0xFFFFFFFF  }
0xb3: {  	[dreg:$0x0] =	wrdreg $0x60  }
0xb4: {  	[dreg:$0x2] =	wrdreg s24  }
0xb5: {  	[dreg:$0x3] =	wrdreg s16  }
0xb6: {  	[dreg:$0x4] =	wrdreg $0x59800  }
0xb7: {  	[dreg:$0x5] =	wrdreg $0xF6000  }
0xb8: {  	[dreg:$0x6] =	wrdreg $0x9  }
0xb9: {  	_ =	task.clear_ibuf [dreg:s7], $0x7FFFF;
	_ =	strace $0x90000046  }
0xba: {  	s29 =	simm.s32 $0x9;
	_ =	strace $0x80000048  }
0xbb: {  	_ =	swait.ge [sflag:s29], $0x1  }
0xbc: {  	[sflag:s29] =	ssyncadd.s32 $0xFFFFFFFF  }
0xbd: {  	_ =	strace $0x90000048  }
0xbe: {  	_ =	sfence  }
0xbf: {  	s30 =	sld [smem:$0x0];
	_ =	sdelay $0x2  }
0xc0: {  	s31 =	sshll.u32 s1, $0xD;
	s1 =	sshrl.u32 s1, $0x2  }
0xc1: {  	s3 =	sand.u32 $0x4000, s31;
	s1 =	sadd.s32 s1, s30  }
0xc2: {  	s0 =	sor.u32 s3, s0;
	s1 =	sshll.u32 s1, $0x11  }
0xc3: {  	s0 =	sor.u32 s1, s0  }
0xc4: {  	s0 =	sadd.s32 $0x8F2B, s0  }
0xc5: {  	[sflag:s0] =	ssyncadd.remote.s32 $0x1  }
0xc6: {  	_ =	sfence.sel $0xFFFF  }
0xc7: {  	[dreg:$0x0] =	wrdreg $0xFFFFFFFF;
	(pc) =	sbr.abs _section_cstart, $3  }
0xc8: {  	[dreg:$0x1] =	wrdreg $0xFFFFFFFF  }
0xc9: {  	_ =	task.clear_ibuf [dreg:s7], $0x2FFFF;
	_ =	strace $0x9FFFFFFF  }
0xca: {  	(tm) =	ssettm $0x7FFFFFFF  }
0xcb: {  	_ =	shalt  }
tec
execute0_lowered:
.L_overlay_start_1:
0x0: {  	(tag) =	ssettag $0x1  }
0x1: {  	s0 =	rddreg [dreg:$0x0]  }
0x2: {  	s4 =	rddreg [dreg:$0x1]  }
0x3: {  	s1 =	rddreg [dreg:$0x2]  }
0x4: {  	s2 =	rddreg [dreg:$0x3]  }
0x5: {  	s3 =	simm.s32 $0x0;
	s7 =	srdreg.scid;
	s14 =	stileid.u32  }
0x6: {  	s29 =	simm.s32 $0x80;
	s30 =	simm.s32 $0x400;
	s31 =	simm.s32 $0x1  }
0x7: {  	[smem:$0x7FF] =	sst s3;
	s5 =	sadd.s32 $0x22400, s0;
	s25 =	smul.u32 $0x27000, s14  }
0x8: {  	s6 =	sadd.s32 $0x2400, s0;
	s8 =	sand.u32 $0x1, s7;
	s11 =	smul.u32 $0x1380, s14  }
0x9: {  	s0 =	sadd.s32 $0x49600, s0;
	s12 =	smul.u32 $0x138, s14;
	s19 =	sadd.s32 $0x9C000, s1  }
0xa: {  	s20 =	sadd.s32 $0x13800, s2;
	s22 =	sshll.u32 s14, $0xD;
	p0 =	sne.s32 s14, $0xF  }
0xb: {  	_ =	strace $0x80000047;
	s9 =	ssub.s32 $0x2, s8;
	[dreg:$0xd] =	wrdreg s19  }
0xc: {  	s15 =	smul.u32 $0x1388, s8;
	[dreg:$0xe] =	wrdreg s20;
	s23 =	sadd.s32 s6, s22  }
0xd: {  	s20 =	simm.s32 $0x7;
	s22 =	simm.s32 $0x5300;
	s10 =	sshrl.u32 s9, $0x1  }
0xe: {  	s7 =	sshrl.u32 s25, $0x2;
	s28 =	sadd.s32 s11, s2;
	[dreg:$0x10] =	wrdreg s23  }
0xf: {  	s9 =	ssub.s32 s9, s10;
	s13 =	sadd.s32 $0x500, s28;
	[dreg:$0x8] =	wrdreg s28  }
0x10: {  	s16 =	sadd.s32 s7, s1;
	s17 =	sadd.s32 $0xA00, s28;
	[dreg:$0xa] =	wrdreg s13  }
0x11: {  	s18 =	sadd.s32 $0xF00, s28;
	s12 =	sadd.s32 s12, s15;
	[dreg:$0xb] =	wrdreg s17  }
0x12: {  	s7 =	sadd.s32 $0x2800, s16;
	s26 =	sadd.s32 $0x5000, s16;
	[dreg:$0xc] =	wrdreg s18  }
0x13: {  	s10 =	sadd.s32 $0x7800, s16;
	s13 =	smul.u32 $0x9C400, s8;
	[dreg:$0x5] =	wrdreg s16  }
0x14: {  	s8 =	smul.u32 $0x13880, s8;
	s17 =	sshll.u32 s14, $0x10;
	[dreg:$0x6] =	wrdreg s7  }
0x15: {  	s12 =	sshll.u32 s12, $0x4;
	s14 =	simm.s32 $0x5200;
	[dreg:$0x7] =	wrdreg s26  }
0x16: {  	s18 =	simm.s32 $0x5;
	[dreg:$0x9] =	wrdreg s10;
	s21 =	sadd.s32 s0, s12  }
0x17: {  	s7 =	sadd.s32 $0x10, s23;
	s26 =	smax.u32 s9, $0x1;
	s9 =	simm.s32 $0x2  }
0x18: {  	s12 =	simm.s32 $0x5280;
	s23 =	simm.s32 $0x5400;
	[dreg:$0xf] =	wrdreg s21  }
0x19: {  	s13 =	sshrl.u32 s13, $0x3;
	s11 =	sadd.s32 s11, s8;
	[dreg:$0x12] =	wrdreg s7  }
0x1a: {  	s8 =	sshrl.u32 s8, $0x3;
	[dreg:$0x15] =	wrdreg s26;
	s26 =	simm.s32 $0x9  }
0x1b: {  	s21 =	simm.s32 $0x4;
	s0 =	sadd.s32 s0, s13;
	s11 =	sshrl.u32 s11, $0x3  }
.Ltmp0:
0x1c: {  	s13 =	simm.s32 $0x5380;
	s24 =	sadd.s32 s4, s11;
	(pc) =	sbr.rel .LBB2_1-.Ltmp0, $4  }
0x1d: {  	s4 =	sadd.s32 s4, s8;
	s0 =	sadd.s32 $0x13800, s0;
	[dreg:$0x11] =	wrdreg s24  }
0x1e: {  	s8 =	simm.s32 $0x3;
	s11 =	simm.s32 $0x2A00;
	[dreg:$0x13] =	wrdreg s0  }
0x1f: {  	s25 =	sadd.s32 $0x2700, s4;
	s0 =	simm.s32 $0x50;
	s4 =	simm.s32 $0x100  }
0x20: {  	v1 =	vimm.f32 $0.0e+00;
	v2 =	vimm.f32 $1.000000000e+00;
	v0 =	vmov s15;
	s24 =	simm.s32 $0x0;
	[dreg:$0x14] =	wrdreg s25;
	s25 =	simm.s32 $0x200  }
.LBB2_8:
0x21: {  	[spmem:s1] =	stream.indirect.scatter.add.f32 [tilespmem:s11], [sflag:$0x6], $0x80, s22, s0, $0xb8;
	[tilespmem:$0x10990] =	vst v63  }
0x22: {  	s7 =	simm.s32 $0x6  }
0x23: {  	[spmem:s2] =	stream.indirect.scatter.add.f32 [tilespmem:s14], [sflag:$0x8], $0x1, s23, s0, $0xb8;
	[tilespmem:$0x10990] =	vst v63  }
0x24: {  	_ =	swait.ge [sflag:s7], $0x2800  }
0x25: {  	[sflag:s7] =	ssyncset.done $0x0  }
0x26: {  	s19 =	simm.s32 $0x8;
	[sflag:s7] =	ssyncadd.s32 $0xFFFFD800  }
0x27: {  	_ =	swait.ge [sflag:s19], $0x50  }
0x28: {  	[sflag:s19] =	ssyncset.done $0x0  }
0x29: {  	[sflag:s19] =	ssyncadd.s32 $0xFFFFFFB0  }
0x2a: {  	s10 =	stileid.u32;
	[bflag:$0x0] =	sbarrier.arrive $0xFFFF  }
0x2b: {  	s7 =	sshll.u32 s10, $0x6;
	s16 =	rddreg [dreg:$0x5]  }
0x2c: {  	s7 =	sor.u32 $0x1C09, s7;
	s15 =	rddreg [dreg:$0xf];
	s10 =	sshrl.u32 s16, $0x3  }
0x2d: {  	[hbm:s15], [sflag:s7] =	dma.local [spmem:s10], $0x1380  }
0x2e: {  	_ =	swait.ge [sflag:s26], $0x1380  }
0x2f: {  	[sflag:s26] =	ssyncset.done $0x0;
	s28 =	rddreg [dreg:$0x8]  }
0x30: {  	s19 =	rddreg [dreg:$0x11];
	[sflag:s26] =	ssyncadd.s32 $0xFFFFEC80;
	s15 =	sshrl.u32 s28, $0x3  }
0x31: {  	[hbm:s19], [sflag:s7] =	dma.local [spmem:s15], $0x270  }
0x32: {  	_ =	swait.ge [sflag:s26], $0x270  }
0x33: {  	[sflag:s26] =	ssyncset.done $0x0;
	s10 =	rddreg [dreg:$0xd]  }
0x34: {  	s15 =	rddreg [dreg:$0x13];
	[sflag:s26] =	ssyncadd.s32 $0xFFFFFD90;
	s10 =	sshrl.u32 @!p0 s10, $0x3  }
0x35: {  	[hbm:s15], [sflag:s7] =	dma.local @!p0 [spmem:s10], $0x80  }
0x36: {  	s10 =	simm.s32 @!p0 $0x9  }
0x37: {  	_ =	swait.ge @!p0 [sflag:s10], $0x80  }
0x38: {  	[sflag:s10] =	ssyncset.done @!p0 $0x0;
	s15 =	rddreg [dreg:$0xe]  }
0x39: {  	s19 =	rddreg [dreg:$0x14];
	[sflag:s10] =	ssyncadd.s32 @!p0 $0xFFFFFF80;
	s15 =	sshrl.u32 @!p0 s15, $0x3  }
0x3a: {  	[hbm:s19], [sflag:s7] =	dma.local @!p0 [spmem:s15], $0x10  }
0x3b: {  	_ =	swait.ge @!p0 [sflag:s10], $0x10  }
0x3c: {  	s24 =	sadd.s32 $0x1, s24;
	s19 =	rddreg [dreg:$0x15]  }
0x3d: {  	p1 =	sne.s32 s24, s19  }
.Ltmp1:
0x3e: {  	_ = 	snop;
	(pc) =	sbr.rel @!p1 .LBB2_9-.Ltmp1, $3  }
0x3f: {  	_ =	sdelay $0x1  }
0x40: {  	[sflag:s10] =	ssyncset.done @!p0 $0x0  }
0x41: {  	[sflag:s10] =	ssyncadd.s32 @!p0 $0xFFFFFFF0  }
.LBB2_1:
0x42: {  	s15 =	simm.s32 $0x70;
	s19 =	simm.s32 $0x3C0  }
.LBB2_2:
0x43: {  	p1 =	sne.s32 s19, $0x9FC0;
	[tilespmem:s15+$0x200] =	vst v1  }
0x44: {  	[tilespmem:s15+$0x190] =	vst v1  }
0x45: {  	[tilespmem:s15+$0x1A0] =	vst v1  }
.Ltmp2:
0x46: {  	[tilespmem:s15+$0x1B0] =	vst v1;
	(pc) =	sbr.rel @p1 .LBB2_2-.Ltmp2, $4  }
0x47: {  	[tilespmem:s15+$0x1C0] =	vst v1  }
0x48: {  	[tilespmem:s15+$0x1D0] =	vst v1  }
0x49: {  	[tilespmem:s15+$0x1E0] =	vst v1  }
0x4a: {  	[tilespmem:s15+$0x1F0] =	vst v1;
	s15 =	sshra.s32 s19, $0x2;
	s19 =	sadd.s32 $0x200, s19  }
0x4b: {  	[tilespmem:s15+$0x200] =	vst v1  }
0x4c: {  	[tilespmem:s15+$0x190] =	vst v1  }
0x4d: {  	[tilespmem:s15+$0x1A0] =	vst v1  }
0x4e: {  	[tilespmem:s15+$0x1B0] =	vst v1  }
0x4f: {  	[tilespmem:s15+$0x1C0] =	vst v1  }
0x50: {  	[tilespmem:s15+$0x1D0] =	vst v1  }
0x51: {  	[tilespmem:s15+$0x1E0] =	vst v1  }
0x52: {  	[tilespmem:s15+$0x1F0] =	vst v1  }
0x53: {  	[tilespmem:$0x5200] =	vst v2  }
0x54: {  	[tilespmem:$0x5210] =	vst v2  }
0x55: {  	[tilespmem:$0x5220] =	vst v2  }
0x56: {  	[tilespmem:$0x5230] =	vst v2  }
0x57: {  	s15 =	simm.s32 $0x40;
	s19 =	simm.s32 $0x0;
	[tilespmem:$0x5240] =	vst v2  }
.LBB2_4:
0x58: {  	p1 =	sne.s32 s15, $0x13C0;
	[tilespmem:s19+$0x5480] =	vst v1;
	s19 =	smov.u32 s15;
	s15 =	sadd.s32 $0x40, s15  }
.Ltmp3:
0x59: {  	(pc) =	sbr.rel @p1 .LBB2_4-.Ltmp3, $2  }
0x5a: {  	_ =	sdelay $0x2  }
0x5b: {  	s19 =	sshra.s32 s19, $0x2  }
0x5c: {  	[tilespmem:s19+$0x5480] =	vst v1  }
0x5d: {  	[spmem:s16] =	stream.linear.scatter [tilespmem:s25], [sflag:$0x9], $0x2800, $0x38;
	[tilespmem:$0x10990] =	vst v63  }
0x5e: {  	_ =	swait.ge [sflag:s26], $0x2800  }
0x5f: {  	[sflag:s26] =	ssyncset.done $0x0  }
0x60: {  	s7 =	rddreg [dreg:$0x6];
	[sflag:s26] =	ssyncadd.s32 $0xFFFFD800  }
0x61: {  	[spmem:s7] =	stream.linear.scatter [tilespmem:s25], [sflag:$0x9], $0x2800, $0x38;
	[tilespmem:$0x10990] =	vst v63  }
0x62: {  	_ =	swait.ge [sflag:s26], $0x2800  }
0x63: {  	[sflag:s26] =	ssyncset.done $0x0  }
0x64: {  	s16 =	rddreg [dreg:$0x7];
	[sflag:s26] =	ssyncadd.s32 $0xFFFFD800  }
0x65: {  	[spmem:s16] =	stream.linear.scatter [tilespmem:s25], [sflag:$0x9], $0x2800, $0x38;
	[tilespmem:$0x10990] =	vst v63  }
0x66: {  	_ =	swait.ge [sflag:s26], $0x2800  }
0x67: {  	[sflag:s26] =	ssyncset.done $0x0  }
0x68: {  	s19 =	rddreg [dreg:$0x9];
	[sflag:s26] =	ssyncadd.s32 $0xFFFFD800  }
0x69: {  	[spmem:s19] =	stream.linear.scatter [tilespmem:s25], [sflag:$0x9], $0x2400, $0x38;
	[tilespmem:$0x10990] =	vst v63  }
0x6a: {  	_ =	swait.ge [sflag:s26], $0x2400  }
0x6b: {  	[sflag:s26] =	ssyncset.done $0x0  }
0x6c: {  	s10 =	simm.s32 $0x5480;
	[sflag:s26] =	ssyncadd.s32 $0xFFFFDC00  }
0x6d: {  	[spmem:s28] =	stream.linear.scatter [tilespmem:s10], [sflag:$0x9], $0x500, $0x38;
	[tilespmem:$0x10990] =	vst v63  }
0x6e: {  	_ =	swait.ge [sflag:s26], $0x500  }
0x6f: {  	[sflag:s26] =	ssyncset.done $0x0  }
0x70: {  	s28 =	rddreg [dreg:$0xa];
	[sflag:s26] =	ssyncadd.s32 $0xFFFFFB00  }
0x71: {  	[spmem:s28] =	stream.linear.scatter [tilespmem:s10], [sflag:$0x9], $0x500, $0x38;
	[tilespmem:$0x10990] =	vst v63  }
0x72: {  	_ =	swait.ge [sflag:s26], $0x500  }
0x73: {  	[sflag:s26] =	ssyncset.done $0x0  }
0x74: {  	s15 =	rddreg [dreg:$0xb];
	[sflag:s26] =	ssyncadd.s32 $0xFFFFFB00  }
0x75: {  	[spmem:s15] =	stream.linear.scatter [tilespmem:s10], [sflag:$0x9], $0x500, $0x38;
	[tilespmem:$0x10990] =	vst v63  }
0x76: {  	_ =	swait.ge [sflag:s26], $0x500  }
0x77: {  	[sflag:s26] =	ssyncset.done $0x0  }
0x78: {  	s16 =	rddreg [dreg:$0xc];
	[sflag:s26] =	ssyncadd.s32 $0xFFFFFB00  }
0x79: {  	[spmem:s16] =	stream.linear.scatter [tilespmem:s10], [sflag:$0x9], $0x480, $0x38;
	[tilespmem:$0x10990] =	vst v63  }
0x7a: {  	_ =	swait.ge [sflag:s26], $0x480  }
0x7b: {  	[sflag:s26] =	ssyncset.done $0x0  }
0x7c: {  	s15 =	simm.s32 @!p0 $0x200;
	s7 =	rddreg [dreg:$0xd];
	[sflag:s26] =	ssyncadd.s32 $0xFFFFFB80  }
0x7d: {  	[spmem:s7] =	stream.linear.scatter @!p0 [tilespmem:s15], [sflag:$0x9], $0x800, $0x38;
	[tilespmem:$0x10990] =	vst v63  }
0x7e: {  	s15 =	simm.s32 @!p0 $0x9  }
0x7f: {  	_ =	swait.ge @!p0 [sflag:s15], $0x800  }
0x80: {  	[sflag:s15] =	ssyncset.done @!p0 $0x0  }
0x81: {  	s19 =	simm.s32 @!p0 $0x5480;
	s7 =	rddreg [dreg:$0xe];
	[sflag:s15] =	ssyncadd.s32 @!p0 $0xFFFFF800  }
0x82: {  	[spmem:s7] =	stream.linear.scatter @!p0 [tilespmem:s19], [sflag:$0x9], $0x100, $0x38;
	[tilespmem:$0x10990] =	vst v63  }
0x83: {  	_ =	swait.ge @!p0 [sflag:s15], $0x100  }
0x84: {  	[sflag:s15] =	ssyncset.done @!p0 $0x0  }
0x85: {  	[sflag:s15] =	ssyncadd.s32 @!p0 $0xFFFFFF00  }
0x86: {  	[bflag:$0x0] =	sbarrier.arrive $0xFFFF  }
0x87: {  	s19 =	rddreg [dreg:$0x10]  }
0x88: {  	[tilespmem:s3], [sflag:$0x1] =	stream.strided.gather [hbm4b:s19+s29], $0x100, s30, s29, $0x38;
	[tilespmem:$0x10990] =	vst v63  }
0x89: {  	_ =	swait.ge [sflag:s31], $0x100  }
0x8a: {  	[sflag:s31] =	ssyncset.done $0x0  }
0x8b: {  	[sflag:s31] =	ssyncadd.s32 $0xFFFFFF00  }
0x8c: {  	[tilespmem:s25], [sflag:$0x3] =	stream.indirect.gather [hbm4b:s5+s0], $0x80, s3, s0, $0xb8;
	[tilespmem:$0x10990] =	vst v63  }
0x8d: {  	s15 =	simm.s32 $0x180;
	s19 =	simm.s32 $0x300;
	s28 =	rddreg [dreg:$0x12]  }
0x8e: {  	[tilespmem:s4], [sflag:$0x2] =	stream.strided.gather [hbm4b:s28+s29], $0x100, s30, s29, $0x38;
	[tilespmem:$0x10990] =	vst v63  }
.LBB2_6:
0x8f: {  	p1 =	seq.s32 s15, $0x180  }
0x90: {  	s16 =	simm.s32 @!p1 $0x6  }
0x91: {  	_ =	swait.ge @!p1 [sflag:s16], $0x2800  }
0x92: {  	[sflag:s16] =	ssyncset.done @!p1 $0x0  }
0x93: {  	[sflag:s16] =	ssyncadd.s32 @!p1 $0xFFFFD800;
	s16 =	simm.s32 @!p1 $0x8  }
0x94: {  	_ =	swait.ge @!p1 [sflag:s16], $0x50  }
0x95: {  	[sflag:s16] =	ssyncset.done @!p1 $0x0  }
0x96: {  	[sflag:s16] =	ssyncadd.s32 @!p1 $0xFFFFFFB0  }
0x97: {  	_ =	swait.ge [sflag:s8], $0x2800  }
0x98: {  	[sflag:s8] =	ssyncset.done $0x0  }
0x99: {  	[sflag:s8] =	ssyncadd.s32 $0xFFFFD800  }
0x9a: {  	v3 =	vld [tilespmem:$0x50]  }
0x9b: {  	v5 =	vld [tilespmem:$0x60]  }
0x9c: {  	v4 =	vld [tilespmem:$0xA0]  }
0x9d: {  	v7 =	vld [tilespmem:$0x70]  }
0x9e: {  	v6 =	vld [tilespmem:$0xB0]  }
0x9f: {  	v10 =	vld [tilespmem:$0x80];
	v3 =	vsub.s32 v3, v0  }
0xa0: {  	v8 =	vld [tilespmem:$0xC0];
	v5 =	vsub.s32 v5, v0;
	v9 =	vshll.u32 v3, $0x4  }
0xa1: {  	v11 =	vld [tilespmem:$0x90];
	vm0 =	vlt.u32 v3, $0x1388;
	v3 =	vmin.u32 v3, $0x1388;
	v4 =	vadd.s32 v4, v9  }
0xa2: {  	v35 =	vld [tilespmem:$0xD0];
	v37 =	vsub.s32 v7, v0;
	v36 =	vshll.u32 v5, $0x4;
	[tilespmem:$0x5280] =	vst v3;
	v3 =	vnsel vm0, $0x13880, v4  }
0xa3: {  	vm7 =	vlt.u32 v5, $0x1388;
	v4 =	vadd.s32 v6, v36;
	[tilespmem:$0x5380] =	vst v3;
	v3 =	vmin.u32 v5, $0x1388  }
0xa4: {  	v39 =	vld [tilespmem:$0xE0];
	v40 =	vsub.s32 v10, v0;
	v38 =	vshll.u32 v37, $0x4;
	[tilespmem:$0x5290] =	vst v3;
	v3 =	vnsel vm7, $0x13880, v4  }
0xa5: {  	vm8 =	vlt.u32 v37, $0x1388;
	v4 =	vadd.s32 v8, v38;
	[tilespmem:$0x5390] =	vst v3;
	v3 =	vmin.u32 v37, $0x1388  }
0xa6: {  	v42 =	vsub.s32 v11, v0;
	v41 =	vshll.u32 v40, $0x4;
	[tilespmem:$0x52A0] =	vst v3;
	v3 =	vnsel vm8, $0x13880, v4  }
0xa7: {  	vm9 =	vlt.u32 v40, $0x1388;
	v4 =	vadd.s32 v35, v41;
	[tilespmem:$0x53A0] =	vst v3;
	v3 =	vmin.u32 v40, $0x1388  }
0xa8: {  	v43 =	vshll.u32 v42, $0x4;
	[tilespmem:$0x52B0] =	vst v3;
	v3 =	vnsel vm9, $0x13880, v4  }
0xa9: {  	vm10 =	vlt.u32 v42, $0x1388;
	v4 =	vadd.s32 v39, v43;
	[tilespmem:$0x53B0] =	vst v3;
	v3 =	vmin.u32 v42, $0x1388  }
0xaa: {  	[tilespmem:$0x52C0] =	vst v3;
	v3 =	vnsel vm10, $0x13880, v4  }
0xab: {  	p1 =	seq.s32 s15, $0x7D80;
	[tilespmem:$0x53C0] =	vst v3  }
0xac: {  	s16 =	sadd.s32 @!p1 $0xFFFFFF00, s19;
	_ =	swait.ge [sflag:s9], $0x100  }
0xad: {  	s7 =	sadd.s32 @!p1 $0xFFFFFF80, s15;
	s16 =	sand.u32 @!p1 $0x1F800, s16;
	[sflag:s9] =	ssyncset.done $0x0  }
0xae: {  	s7 =	sand.u32 @!p1 $0x300, s7;
	s16 =	sadd.s32 @!p1 s17, s16;
	[sflag:s9] =	ssyncadd.s32 $0xFFFFFF00  }
0xaf: {  	[tilespmem:s11], [sflag:$0x4] =	stream.indirect.gather [hbm4b:s5+s0], $0x80, s4, s0, $0xb8;
	[tilespmem:$0x10990] =	vst v63  }
0xb0: {  	s7 =	sor.u32 @!p1 s7, s16  }
0xb1: {  	[spmem:s1] =	stream.indirect.scatter.add.f32 [tilespmem:s25], [sflag:$0x5], $0x80, s12, s0, $0xb8;
	[tilespmem:$0x10990] =	vst v63  }
0xb2: {  	s10 =	simm.s32 @!p1 $0x400;
	s7 =	sshrl.u32 @!p1 s7, $0x3  }
0xb3: {  	[spmem:s2] =	stream.indirect.scatter.add.f32 [tilespmem:s14], [sflag:$0x7], $0x1, s13, s0, $0xb8;
	[tilespmem:$0x10990] =	vst v63  }
0xb4: {  	s28 =	simm.s32 @!p1 $0x0;
	s16 =	simm.s32 @!p1 $0x80;
	s7 =	sadd.s32 @!p1 s6, s7  }
0xb5: {  	[tilespmem:s28], [sflag:$0x1] =	stream.strided.gather @!p1 [hbm4b:s7+s16], $0x100, s10, s16, $0x38;
	[tilespmem:$0x10990] =	vst v63  }
0xb6: {  	_ =	swait.ge [sflag:s18], $0x2800  }
0xb7: {  	[sflag:s18] =	ssyncset.done $0x0  }
0xb8: {  	[sflag:s18] =	ssyncadd.s32 $0xFFFFD800  }
0xb9: {  	_ =	swait.ge [sflag:s20], $0x50  }
0xba: {  	[sflag:s20] =	ssyncset.done $0x0  }
0xbb: {  	[sflag:s20] =	ssyncadd.s32 $0xFFFFFFB0  }
0xbc: {  	_ =	swait.ge [sflag:s21], $0x2800  }
0xbd: {  	[sflag:s21] =	ssyncset.done $0x0  }
0xbe: {  	[sflag:s21] =	ssyncadd.s32 $0xFFFFD800  }
0xbf: {  	v3 =	vld [tilespmem:$0x150]  }
0xc0: {  	v44 =	vld [tilespmem:$0x160]  }
0xc1: {  	v45 =	vld [tilespmem:$0x1A0]  }
0xc2: {  	v47 =	vld [tilespmem:$0x170]  }
0xc3: {  	v48 =	vld [tilespmem:$0x180];
	_ =	sdelay $0x1  }
0xc4: {  	v46 =	vld [tilespmem:$0x1B0];
	v3 =	vsub.s32 v3, v0  }
0xc5: {  	v50 =	vld [tilespmem:$0x1C0];
	v4 =	vsub.s32 v44, v0;
	v49 =	vshll.u32 v3, $0x4  }
0xc6: {  	v54 =	vld [tilespmem:$0x190];
	vm11 =	vlt.u32 v3, $0x1388;
	v3 =	vmin.u32 v3, $0x1388;
	v5 =	vadd.s32 v45, v49  }
0xc7: {  	v52 =	vld [tilespmem:$0x1D0];
	v56 =	vsub.s32 v47, v0;
	v57 =	vsub.s32 v48, v0;
	[tilespmem:$0x5300] =	vst v3;
	v3 =	vnsel vm11, $0x13880, v5  }
0xc8: {  	v51 =	vshll.u32 v4, $0x4;
	vm12 =	vlt.u32 v4, $0x1388;
	[tilespmem:$0x5400] =	vst v3;
	v3 =	vmin.u32 v4, $0x1388  }
0xc9: {  	v58 =	vld [tilespmem:$0x1E0];
	v59 =	vmin.u32 v56, $0x1388;
	v53 =	vadd.s32 v46, v51;
	[tilespmem:$0x5310] =	vst v3;
	v3 =	vshll.u32 v56, $0x4  }
0xca: {  	vm13 =	vlt.u32 v56, $0x1388;
	[tilespmem:$0x5320] =	vst v59;
	v55 =	vnsel vm12, $0x13880, v53;
	v3 =	vadd.s32 v50, v3  }
0xcb: {  	v62 =	vsub.s32 v54, v0;
	v60 =	vshll.u32 v57, $0x4;
	[tilespmem:$0x5410] =	vst v55;
	v3 =	vnsel vm13, $0x13880, v3  }
.Ltmp4:
0xcc: {  	vm14 =	vlt.u32 v57, $0x1388;
	v61 =	vadd.s32 v52, v60;
	[tilespmem:$0x5420] =	vst v3;
	v3 =	vmin.u32 v57, $0x1388;
	(pc) =	sbr.rel @p1 .LBB2_8-.Ltmp4, $4  }
0xcd: {  	v63 =	vshll.u32 v62, $0x4;
	[tilespmem:$0x5330] =	vst v3;
	v3 =	vnsel vm14, $0x13880, v61  }
0xce: {  	vm15 =	vlt.u32 v62, $0x1388;
	v4 =	vadd.s32 v58, v63;
	[tilespmem:$0x5430] =	vst v3;
	v3 =	vmin.u32 v62, $0x1388  }
0xcf: {  	[tilespmem:$0x5340] =	vst v3;
	v3 =	vnsel vm15, $0x13880, v4  }
0xd0: {  	[tilespmem:$0x5440] =	vst v3  }
0xd1: {  	_ =	swait.ge [sflag:s31], $0x100  }
0xd2: {  	[sflag:s31] =	ssyncset.done $0x0  }
0xd3: {  	s7 =	sand.u32 $0x1F800, s19;
	[sflag:s31] =	ssyncadd.s32 $0xFFFFFF00  }
0xd4: {  	[tilespmem:s25], [sflag:$0x3] =	stream.indirect.gather [hbm4b:s5+s0], $0x80, s3, s0, $0xb8;
	[tilespmem:$0x10990] =	vst v63  }
0xd5: {  	s10 =	sand.u32 $0x380, s15;
	s7 =	sadd.s32 s17, s7  }
0xd6: {  	[spmem:s1] =	stream.indirect.scatter.add.f32 [tilespmem:s11], [sflag:$0x6], $0x80, s22, s0, $0xb8;
	[tilespmem:$0x10990] =	vst v63  }
.Ltmp5:
0xd7: {  	s7 =	sor.u32 s10, s7;
	(pc) =	sbr.rel .LBB2_6-.Ltmp5, $4  }
0xd8: {  	s7 =	sshrl.u32 s7, $0x3  }
0xd9: {  	[spmem:s2] =	stream.indirect.scatter.add.f32 [tilespmem:s14], [sflag:$0x8], $0x1, s23, s0, $0xb8;
	[tilespmem:$0x10990] =	vst v63  }
0xda: {  	s19 =	sadd.s32 $0x200, s19;
	s15 =	sadd.s32 $0x100, s15;
	s7 =	sadd.s32 s6, s7  }
0xdb: {  	[tilespmem:s4], [sflag:$0x2] =	stream.strided.gather [hbm4b:s7+s29], $0x100, s30, s29, $0x38;
	[tilespmem:$0x10990] =	vst v63  }
.LBB2_9:
0xdc: {  	_ =	sfence.sel $0x180000  }
0xdd: {  	[bflag:$0x0] =	sbarrier.arrive $0xFFFF  }
0xde: {  	_ =	strace $0x90000047  }
0xdf: {  	s0 =	stileid.u32;
	[bflag:$0x2] =	sbarrier.arrive $0xFFFF  }
0xe0: {  	p0 =	sne.s32 s0, $0x0;
	s0 =	rddreg [dreg:$0x4]  }
0xe1: {  	s0 =	sadd.s32 @!p0 $0x100000, s0  }
0xe2: {  	[sflag:s0] =	ssyncadd.tile.s32 @!p0 $0x1;
	_ =	shalt  }
.Lfunc_end2:
_tile_overlayer_lowered:
.L_overlay_start_2:
0xe3: {  	(tag) =	ssettag $0x2  }
0xe4: {  	s0 =	rddreg [dreg:$0x0];
	s2 =	stileid.u32  }
0xe5: {  	s1 =	rddreg [dreg:$0x1];
	p0 =	sne.s32 s2, $0x0  }
0xe6: {  	s3 =	rddreg [dreg:$0x2];
	[bflag:$0x3] =	sbarrier.arrive $0xFFFF;
	s2 =	simm.s32 @!p0 $0x1C09  }
0xe7: {  	[timem:s3], [sflag:s2] =	dma.local @!p0 [hbm:s0], s1  }
0xe8: {  	s0 =	simm.s32 @!p0 $0x9  }
0xe9: {  	_ =	swait.ge @!p0 [sflag:s0], s1  }
0xea: {  	s1 =	ssub.s32 @!p0 $0x0, s1;
	[sflag:s0] =	ssyncset.done @!p0 $0x0  }
0xeb: {  	[sflag:s0] =	ssyncadd.s32 @!p0 s1  }
0xec: {  	[bflag:$0x3] =	sbarrier.arrive $0xFFFF  }
0xed: {  	_ =	shalt  }

</sc_bundles>
